<compile_context>
chip_gen: v7x
topology: tpu7x:2x2x1
jax: 0.10.2.dev20260603
libtpu: 0.0.44.dev20260713+nightly
codegen_flags: <defaults>
</compile_context>

<pallas_src>
import functools

import jax
import jax.numpy as jnp
from jax import lax
from jax.experimental import pallas as pl
from jax.experimental.pallas import tpu as pltpu
from jax.experimental.pallas import tpu_sc as plsc

_B = 16384
_NC = 128
_L = 16
_NW = 32
_ROWS = _B // _NW
_CHUNK = 128
_NCHUNKS = _ROWS // _CHUNK
_NBUF = 3


def _body(x_hbm, y_hbm, w_hbm, b_hbm, emb_hbm, out_hbm,
          idx_v, x_v, e_buf, w_v, b_v, out_v,
          sem_x, sem_e0, sem_e1, sem_e2):
    cid = lax.axis_index("c")
    sid = lax.axis_index("s")
    wid = sid * 2 + cid
    base = wid * _ROWS

    b_v[...] = jnp.zeros((_L,), jnp.float32)

    pltpu.sync_copy(y_hbm.at[wid], idx_v)

    x_cp = pltpu.async_copy(x_hbm.at[pl.ds(base, _ROWS)], x_v, sem_x)
    sems_e = [sem_e0, sem_e1, sem_e2]

    def e_copy(j):
        s = j % _NBUF
        return pltpu.async_copy(emb_hbm.at[idx_v.at[j]], e_buf.at[s],
                                sems_e[s])

    for j in range(_NBUF):
        e_copy(j)

    pltpu.sync_copy(w_hbm.at[0], w_v)
    pltpu.sync_copy(b_hbm, b_v.at[pl.ds(0, 1)])

    wg = [w_v[pl.ds(g * _L, _L)] for g in range(_NC // _L)]
    bias_vec = b_v[...]
    last_lane = lax.broadcasted_iota(jnp.int32, (_L,), 0) == (_L - 1)

    x_cp.wait()
    for j in range(_NCHUNKS):
        s = j % _NBUF
        pltpu.make_async_copy(emb_hbm.at[idx_v.at[j]], e_buf.at[s],
                              sems_e[s]).wait()

        def row(r, carry, s=s, j=j):
            acc = bias_vec
            xr = j * _CHUNK + r
            for g in range(_NC // _L):
                acc += ((e_buf[s, r, pl.ds(g * _L, _L)] + wg[g])
                        * x_v[xr, pl.ds(g * _L, _L)])
            tot = plsc.cumsum(acc)
            plsc.store_compressed(out_v.at[pl.ds(j * _CHUNK + r, _L)],
                                  tot, mask=last_lane)
            return carry

        lax.fori_loop(0, 1, row, 0)
        if j + _NBUF < _NCHUNKS:
            e_copy(j + _NBUF)

    pltpu.sync_copy(out_v.at[pl.ds(0, _ROWS)], out_hbm.at[pl.ds(base, _ROWS)])


@jax.jit
def kernel(x, y, fc_w, fc_b, emb):
    mesh = plsc.VectorSubcoreMesh(core_axis_name="c", subcore_axis_name="s")
    y3 = y.astype(jnp.int32).reshape(_NW, _NCHUNKS, _CHUNK)
    run = pl.kernel(
        _body,
        out_type=jax.ShapeDtypeStruct((_B,), jnp.float32),
        mesh=mesh,
        compiler_params=pltpu.CompilerParams(needs_layout_passes=False),
        scratch_types=[
            pltpu.VMEM((_NCHUNKS, _CHUNK), jnp.int32),
            pltpu.VMEM((_ROWS, _NC), jnp.float32),
            pltpu.VMEM((_NBUF, _CHUNK, _NC), jnp.float32),
            pltpu.VMEM((_NC,), jnp.float32),
            pltpu.VMEM((_L,), jnp.float32),
            pltpu.VMEM((_ROWS + _L,), jnp.float32),
            pltpu.SemaphoreType.DMA,
            pltpu.SemaphoreType.DMA,
            pltpu.SemaphoreType.DMA,
            pltpu.SemaphoreType.DMA,
        ],
    )
    return run(x, y3, fc_w, fc_b, emb)

# --- scband reference (transcript-rebuilt; emitter-appended) ---
"""Pipeline reference for scband-projection-discriminator-logits-6562710028602 (READ-ONLY COPY).

The authoritative reference and input builder live on the scoring server;
editing this copy changes nothing except your own understanding.
"""

import jax, jax.numpy as jnp
import numpy as np

B = 16384
NC = 128
NLABELS = 100000

def setup_inputs(seed: int = 0) -> dict:
    key = jax.random.key(seed)
    k1, k2, k3, k4, k5 = jax.random.split(key, 5)
    x = jax.random.normal(k1, (B, NC), dtype=jnp.float32)
    y = jax.random.randint(k2, (B,), 0, NLABELS, dtype=jnp.int64 if jax.config.jax_enable_x64 else jnp.int32)
    fc_w = jax.random.normal(k3, (1, NC), dtype=jnp.float32) * (1.0 / np.sqrt(NC))
    fc_b = jnp.zeros((1,), dtype=jnp.float32)
    emb = jax.random.normal(k4, (NLABELS, NC), dtype=jnp.float32)
    return {"x": x, "y": y, "fc_w": fc_w, "fc_b": fc_b, "emb": emb}

def reference(x, y, fc_w, fc_b, emb):
    # output = fc(x): [B, 1]
    output = x @ fc_w.T + fc_b
    # label_info = sum(embedding(y) * x, dim=1, keepdim=True): [B, 1]
    emb_y = jnp.take(emb, y, axis=0)
    label_info = jnp.sum(emb_y * x, axis=1, keepdims=True)
    return (output + label_info).reshape(x.shape[0])

if __name__ == "__main__":
    import jax
    _d = setup_inputs()
    print(jax.jit(kernel)(*tuple(_d.values())))

</pallas_src>

<mosaic_0001>
#map = affine_map<(d0, d1) -> (0, 0)>
#map1 = affine_map<(d0, d1) -> (0, 0, 0)>
#map2 = affine_map<(d0, d1) -> (0)>
module attributes {stable_mosaic.version = 14 : i64} {
  func.func @_body(%arg0: i32, %arg1: i32, %arg2: memref<16384x128xf32, #tpu.memory_space<hbm>>, %arg3: memref<32x4x128xi32, #tpu.memory_space<hbm>>, %arg4: memref<1x128xf32, #tpu.memory_space<hbm>>, %arg5: memref<1xf32, #tpu.memory_space<hbm>>, %arg6: memref<100000x128xf32, #tpu.memory_space<hbm>>, %arg7: memref<16384xf32, #tpu.memory_space<hbm>>, %arg8: memref<4x128xi32, #tpu.memory_space<vmem>>, %arg9: memref<512x128xf32, #tpu.memory_space<vmem>>, %arg10: memref<3x128x128xf32, #tpu.memory_space<vmem>>, %arg11: memref<128xf32, #tpu.memory_space<vmem>>, %arg12: memref<16xf32, #tpu.memory_space<vmem>>, %arg13: memref<528xf32, #tpu.memory_space<vmem>>, %arg14: memref<!tpu.dma_semaphore, #tpu.memory_space<semaphore_mem>>, %arg15: memref<!tpu.dma_semaphore, #tpu.memory_space<semaphore_mem>>, %arg16: memref<!tpu.dma_semaphore, #tpu.memory_space<semaphore_mem>>, %arg17: memref<!tpu.dma_semaphore, #tpu.memory_space<semaphore_mem>>) attributes {dimension_semantics = [#tpu.dimension_semantics<core_parallel>, #tpu.dimension_semantics<subcore_parallel>], iteration_bounds = array<i64: 2, 16>, scalar_prefetch = 0 : i64, scratch_operands = 10 : i64, tpu.core_type = #tpu.core_type<sc_vector_subcore>, window_params = [{transform_indices = #map}, {transform_indices = #map1}, {transform_indices = #map}, {transform_indices = #map2}, {transform_indices = #map}, {transform_indices = #map2}]} {
    %mul3A = arith.constant 2 : i32
    %mul3A_0 = arith.muli %arg1, %mul3A : i32
    %add3A = arith.addi %mul3A_0, %arg0 : i32
    %mul3A_1 = arith.constant 512 : i32
    %mul3A_2 = arith.muli %add3A, %mul3A_1 : i32
    %broadcast_in_dim3A = arith.constant 0.000000e+00 : f32
    %broadcast_in_dim3A_3 = vector.broadcast %broadcast_in_dim3A : f32 to vector<16xf32>
    %swap3A = arith.constant 0 : index
    %swap3A_4 = tpu.vector_load %arg12[%swap3A] {strides = array<i32>} : memref<16xf32, #tpu.memory_space<vmem>>, vector<16xf32>,
    tpu.vector_store %arg12[%swap3A], %broadcast_in_dim3A_3 {strides = array<i32>} : memref<16xf32, #tpu.memory_space<vmem>>, vector<16xf32>,
    "tpu.region"() ({
      %run_scoped3A_524 = tpu.sem_alloc : memref<!tpu.dma_semaphore, #tpu.memory_space<semaphore_mem>>
      %dma_start3A_525 = arith.constant 0 : i32
      %dma_start3A_526 = arith.constant 0 : i32
      %dma_start3A_527 = tpu.memref_slice %arg3[%add3A, %dma_start3A_525, %dma_start3A_526] : memref<32x4x128xi32, #tpu.memory_space<hbm>> -> memref<1x4x128xi32, #tpu.memory_space<hbm>>
      %dma_start3A_528 = tpu.memref_squeeze %dma_start3A_527 : memref<1x4x128xi32, #tpu.memory_space<hbm>> -> memref<4x128xi32, #tpu.memory_space<hbm>>
      %dma_start3A_529 = arith.constant 0 : i32
      %dma_start3A_530 = arith.constant 0 : i32
      %dma_start3A_531 = tpu.memref_slice %arg3[%add3A, %dma_start3A_529, %dma_start3A_530] : memref<32x4x128xi32, #tpu.memory_space<hbm>> -> memref<1x4x128xi32, #tpu.memory_space<hbm>>
      %dma_start3A_532 = tpu.memref_squeeze %dma_start3A_531 : memref<1x4x128xi32, #tpu.memory_space<hbm>> -> memref<4x128xi32, #tpu.memory_space<hbm>>
      tpu.enqueue_dma source(%dma_start3A_532 : memref<4x128xi32, #tpu.memory_space<hbm>>) target(%arg8 : memref<4x128xi32, #tpu.memory_space<vmem>>) target_semaphore(%run_scoped3A_524 : memref<!tpu.dma_semaphore, #tpu.memory_space<semaphore_mem>>)
      %dma_wait3A_533 = arith.constant 0 : i32
      %dma_wait3A_534 = arith.constant 0 : i32
      %dma_wait3A_535 = tpu.memref_slice %arg3[%add3A, %dma_wait3A_533, %dma_wait3A_534] : memref<32x4x128xi32, #tpu.memory_space<hbm>> -> memref<1x4x128xi32, #tpu.memory_space<hbm>>
      %dma_wait3A_536 = tpu.memref_squeeze %dma_wait3A_535 : memref<1x4x128xi32, #tpu.memory_space<hbm>> -> memref<4x128xi32, #tpu.memory_space<hbm>>
      %dma_wait3A_537 = arith.constant 0 : i32
      %dma_wait3A_538 = arith.constant 0 : i32
      %dma_wait3A_539 = tpu.memref_slice %arg3[%add3A, %dma_wait3A_537, %dma_wait3A_538] : memref<32x4x128xi32, #tpu.memory_space<hbm>> -> memref<1x4x128xi32, #tpu.memory_space<hbm>>
      %dma_wait3A_540 = tpu.memref_squeeze %dma_wait3A_539 : memref<1x4x128xi32, #tpu.memory_space<hbm>> -> memref<4x128xi32, #tpu.memory_space<hbm>>
      tpu.wait_dma2 semaphore(%run_scoped3A_524 : memref<!tpu.dma_semaphore, #tpu.memory_space<semaphore_mem>>) src(%dma_wait3A_540 : memref<4x128xi32, #tpu.memory_space<hbm>>) dst(%arg8 : memref<4x128xi32, #tpu.memory_space<vmem>>)
      tpu.yield
    }) : () -> ()
    %dma_start3A = arith.constant 0 : i32
    %dma_start3A_5 = tpu.memref_slice %arg2[%mul3A_2, %dma_start3A] : memref<16384x128xf32, #tpu.memory_space<hbm>> -> memref<512x128xf32, #tpu.memory_space<hbm>>
    %dma_start3A_6 = arith.constant 0 : i32
    %dma_start3A_7 = tpu.memref_slice %arg2[%mul3A_2, %dma_start3A_6] : memref<16384x128xf32, #tpu.memory_space<hbm>> -> memref<512x128xf32, #tpu.memory_space<hbm>>
    tpu.enqueue_dma source(%dma_start3A_7 : memref<512x128xf32, #tpu.memory_space<hbm>>) target(%arg9 : memref<512x128xf32, #tpu.memory_space<vmem>>) target_semaphore(%arg14 : memref<!tpu.dma_semaphore, #tpu.memory_space<semaphore_mem>>)
    %dma_start3A_8 = arith.constant 0 : i32
    %dma_start3A_9 = arith.constant 0 : i32
    %dma_start3A_10 = arith.constant 0 : i32
    %dma_start3A_11 = arith.constant 0 : i32
    %dma_start3A_12 = tpu.memref_slice %arg10[%dma_start3A_9, %dma_start3A_10, %dma_start3A_11] : memref<3x128x128xf32, #tpu.memory_space<vmem>> -> memref<1x128x128xf32, #tpu.memory_space<vmem>>
    %dma_start3A_13 = tpu.memref_squeeze %dma_start3A_12 : memref<1x128x128xf32, #tpu.memory_space<vmem>> -> memref<128x128xf32, #tpu.memory_space<vmem>>
    %dma_start3A_14 = arith.constant 0 : i32
    %dma_start3A_15 = tpu.memref_slice %arg8[%dma_start3A_8, %dma_start3A_14] : memref<4x128xi32, #tpu.memory_space<vmem>> -> memref<1x128xi32, #tpu.memory_space<vmem>>
    %dma_start3A_16 = tpu.memref_squeeze %dma_start3A_15 : memref<1x128xi32, #tpu.memory_space<vmem>> -> memref<128xi32, #tpu.memory_space<vmem>>
    %dma_start3A_17 = arith.constant 0 : i32
    %dma_start3A_18 = arith.constant 0 : i32
    %dma_start3A_19 = tpu.memref_slice %arg6[%dma_start3A_17, %dma_start3A_18] : memref<100000x128xf32, #tpu.memory_space<hbm>> -> memref<100000x128xf32, #tpu.memory_space<hbm>>
    tpu.enqueue_indirect_dma source(%dma_start3A_19 : memref<100000x128xf32, #tpu.memory_space<hbm>>) target(%dma_start3A_13 : memref<128x128xf32, #tpu.memory_space<vmem>>) offsets(%dma_start3A_16 : memref<128xi32, #tpu.memory_space<vmem>>) semaphore(%arg15 : memref<!tpu.dma_semaphore, #tpu.memory_space<semaphore_mem>>)
    %dma_start3A_20 = arith.constant 1 : i32
    %dma_start3A_21 = arith.constant 1 : i32
    %dma_start3A_22 = arith.constant 0 : i32
    %dma_start3A_23 = arith.constant 0 : i32
    %dma_start3A_24 = tpu.memref_slice %arg10[%dma_start3A_21, %dma_start3A_22, %dma_start3A_23] : memref<3x128x128xf32, #tpu.memory_space<vmem>> -> memref<1x128x128xf32, #tpu.memory_space<vmem>>
    %dma_start3A_25 = tpu.memref_squeeze %dma_start3A_24 : memref<1x128x128xf32, #tpu.memory_space<vmem>> -> memref<128x128xf32, #tpu.memory_space<vmem>>
    %dma_start3A_26 = arith.constant 0 : i32
    %dma_start3A_27 = tpu.memref_slice %arg8[%dma_start3A_20, %dma_start3A_26] : memref<4x128xi32, #tpu.memory_space<vmem>> -> memref<1x128xi32, #tpu.memory_space<vmem>>
    %dma_start3A_28 = tpu.memref_squeeze %dma_start3A_27 : memref<1x128xi32, #tpu.memory_space<vmem>> -> memref<128xi32, #tpu.memory_space<vmem>>
    %dma_start3A_29 = arith.constant 0 : i32
    %dma_start3A_30 = arith.constant 0 : i32
    %dma_start3A_31 = tpu.memref_slice %arg6[%dma_start3A_29, %dma_start3A_30] : memref<100000x128xf32, #tpu.memory_space<hbm>> -> memref<100000x128xf32, #tpu.memory_space<hbm>>
    tpu.enqueue_indirect_dma source(%dma_start3A_31 : memref<100000x128xf32, #tpu.memory_space<hbm>>) target(%dma_start3A_25 : memref<128x128xf32, #tpu.memory_space<vmem>>) offsets(%dma_start3A_28 : memref<128xi32, #tpu.memory_space<vmem>>) semaphore(%arg16 : memref<!tpu.dma_semaphore, #tpu.memory_space<semaphore_mem>>)
    %dma_start3A_32 = arith.constant 2 : i32
    %dma_start3A_33 = arith.constant 2 : i32
    %dma_start3A_34 = arith.constant 0 : i32
    %dma_start3A_35 = arith.constant 0 : i32
    %dma_start3A_36 = tpu.memref_slice %arg10[%dma_start3A_33, %dma_start3A_34, %dma_start3A_35] : memref<3x128x128xf32, #tpu.memory_space<vmem>> -> memref<1x128x128xf32, #tpu.memory_space<vmem>>
    %dma_start3A_37 = tpu.memref_squeeze %dma_start3A_36 : memref<1x128x128xf32, #tpu.memory_space<vmem>> -> memref<128x128xf32, #tpu.memory_space<vmem>>
    %dma_start3A_38 = arith.constant 0 : i32
    %dma_start3A_39 = tpu.memref_slice %arg8[%dma_start3A_32, %dma_start3A_38] : memref<4x128xi32, #tpu.memory_space<vmem>> -> memref<1x128xi32, #tpu.memory_space<vmem>>
    %dma_start3A_40 = tpu.memref_squeeze %dma_start3A_39 : memref<1x128xi32, #tpu.memory_space<vmem>> -> memref<128xi32, #tpu.memory_space<vmem>>
    %dma_start3A_41 = arith.constant 0 : i32
    %dma_start3A_42 = arith.constant 0 : i32
    %dma_start3A_43 = tpu.memref_slice %arg6[%dma_start3A_41, %dma_start3A_42] : memref<100000x128xf32, #tpu.memory_space<hbm>> -> memref<100000x128xf32, #tpu.memory_space<hbm>>
    tpu.enqueue_indirect_dma source(%dma_start3A_43 : memref<100000x128xf32, #tpu.memory_space<hbm>>) target(%dma_start3A_37 : memref<128x128xf32, #tpu.memory_space<vmem>>) offsets(%dma_start3A_40 : memref<128xi32, #tpu.memory_space<vmem>>) semaphore(%arg17 : memref<!tpu.dma_semaphore, #tpu.memory_space<semaphore_mem>>)
    %run_scoped3A = arith.constant 0 : i32
    "tpu.region"() ({
      %run_scoped3A_524 = tpu.sem_alloc : memref<!tpu.dma_semaphore, #tpu.memory_space<semaphore_mem>>
      %dma_start3A_525 = arith.constant 0 : i32
      %dma_start3A_526 = tpu.memref_slice %arg4[%run_scoped3A, %dma_start3A_525] : memref<1x128xf32, #tpu.memory_space<hbm>> -> memref<1x128xf32, #tpu.memory_space<hbm>>
      %dma_start3A_527 = tpu.memref_squeeze %dma_start3A_526 : memref<1x128xf32, #tpu.memory_space<hbm>> -> memref<128xf32, #tpu.memory_space<hbm>>
      %dma_start3A_528 = arith.constant 0 : i32
      %dma_start3A_529 = tpu.memref_slice %arg4[%run_scoped3A, %dma_start3A_528] : memref<1x128xf32, #tpu.memory_space<hbm>> -> memref<1x128xf32, #tpu.memory_space<hbm>>
      %dma_start3A_530 = tpu.memref_squeeze %dma_start3A_529 : memref<1x128xf32, #tpu.memory_space<hbm>> -> memref<128xf32, #tpu.memory_space<hbm>>
      tpu.enqueue_dma source(%dma_start3A_530 : memref<128xf32, #tpu.memory_space<hbm>>) target(%arg11 : memref<128xf32, #tpu.memory_space<vmem>>) target_semaphore(%run_scoped3A_524 : memref<!tpu.dma_semaphore, #tpu.memory_space<semaphore_mem>>)
      %dma_wait3A_531 = arith.constant 0 : i32
      %dma_wait3A_532 = tpu.memref_slice %arg4[%run_scoped3A, %dma_wait3A_531] : memref<1x128xf32, #tpu.memory_space<hbm>> -> memref<1x128xf32, #tpu.memory_space<hbm>>
      %dma_wait3A_533 = tpu.memref_squeeze %dma_wait3A_532 : memref<1x128xf32, #tpu.memory_space<hbm>> -> memref<128xf32, #tpu.memory_space<hbm>>
      %dma_wait3A_534 = arith.constant 0 : i32
      %dma_wait3A_535 = tpu.memref_slice %arg4[%run_scoped3A, %dma_wait3A_534] : memref<1x128xf32, #tpu.memory_space<hbm>> -> memref<1x128xf32, #tpu.memory_space<hbm>>
      %dma_wait3A_536 = tpu.memref_squeeze %dma_wait3A_535 : memref<1x128xf32, #tpu.memory_space<hbm>> -> memref<128xf32, #tpu.memory_space<hbm>>
      tpu.wait_dma2 semaphore(%run_scoped3A_524 : memref<!tpu.dma_semaphore, #tpu.memory_space<semaphore_mem>>) src(%dma_wait3A_536 : memref<128xf32, #tpu.memory_space<hbm>>) dst(%arg11 : memref<128xf32, #tpu.memory_space<vmem>>)
      tpu.yield
    }) : () -> ()
    "tpu.region"() ({
      %run_scoped3A_524 = tpu.sem_alloc : memref<!tpu.dma_semaphore, #tpu.memory_space<semaphore_mem>>
      %dma_start3A_525 = arith.constant 0 : i32
      %dma_start3A_526 = tpu.memref_slice %arg12[%dma_start3A_525] : memref<16xf32, #tpu.memory_space<vmem>> -> memref<1xf32, #tpu.memory_space<vmem>>
      %dma_start3A_527 = arith.constant 0 : i32
      %dma_start3A_528 = tpu.memref_slice %arg12[%dma_start3A_527] : memref<16xf32, #tpu.memory_space<vmem>> -> memref<1xf32, #tpu.memory_space<vmem>>
      tpu.enqueue_dma source(%arg5 : memref<1xf32, #tpu.memory_space<hbm>>) target(%dma_start3A_528 : memref<1xf32, #tpu.memory_space<vmem>>) target_semaphore(%run_scoped3A_524 : memref<!tpu.dma_semaphore, #tpu.memory_space<semaphore_mem>>)
      %dma_wait3A_529 = arith.constant 0 : i32
      %dma_wait3A_530 = tpu.memref_slice %arg12[%dma_wait3A_529] : memref<16xf32, #tpu.memory_space<vmem>> -> memref<1xf32, #tpu.memory_space<vmem>>
      %dma_wait3A_531 = arith.constant 0 : i32
      %dma_wait3A_532 = tpu.memref_slice %arg12[%dma_wait3A_531] : memref<16xf32, #tpu.memory_space<vmem>> -> memref<1xf32, #tpu.memory_space<vmem>>
      tpu.wait_dma2 semaphore(%run_scoped3A_524 : memref<!tpu.dma_semaphore, #tpu.memory_space<semaphore_mem>>) src(%arg5 : memref<1xf32, #tpu.memory_space<hbm>>) dst(%dma_wait3A_532 : memref<1xf32, #tpu.memory_space<vmem>>)
      tpu.yield
    }) : () -> ()
    %get3A = arith.constant 0 : index
    %get3A_44 = tpu.vector_load %arg11[%get3A] {strides = array<i32>} : memref<128xf32, #tpu.memory_space<vmem>>, vector<16xf32>,
    %get3A_45 = arith.constant 16 : index
    %get3A_46 = tpu.vector_load %arg11[%get3A_45] {strides = array<i32>} : memref<128xf32, #tpu.memory_space<vmem>>, vector<16xf32>,
    %get3A_47 = arith.constant 32 : index
    %get3A_48 = tpu.vector_load %arg11[%get3A_47] {strides = array<i32>} : memref<128xf32, #tpu.memory_space<vmem>>, vector<16xf32>,
    %get3A_49 = arith.constant 48 : index
    %get3A_50 = tpu.vector_load %arg11[%get3A_49] {strides = array<i32>} : memref<128xf32, #tpu.memory_space<vmem>>, vector<16xf32>,
    %get3A_51 = arith.constant 64 : index
    %get3A_52 = tpu.vector_load %arg11[%get3A_51] {strides = array<i32>} : memref<128xf32, #tpu.memory_space<vmem>>, vector<16xf32>,
    %get3A_53 = arith.constant 80 : index
    %get3A_54 = tpu.vector_load %arg11[%get3A_53] {strides = array<i32>} : memref<128xf32, #tpu.memory_space<vmem>>, vector<16xf32>,
    %get3A_55 = arith.constant 96 : index
    %get3A_56 = tpu.vector_load %arg11[%get3A_55] {strides = array<i32>} : memref<128xf32, #tpu.memory_space<vmem>>, vector<16xf32>,
    %get3A_57 = arith.constant 112 : index
    %get3A_58 = tpu.vector_load %arg11[%get3A_57] {strides = array<i32>} : memref<128xf32, #tpu.memory_space<vmem>>, vector<16xf32>,
    %get3A_59 = arith.constant 0 : index
    %get3A_60 = tpu.vector_load %arg12[%get3A_59] {strides = array<i32>} : memref<16xf32, #tpu.memory_space<vmem>>, vector<16xf32>,
    %iota3A = tpu.iota {dimensions = array<i32: 0>} : vector<16xi32>
    %eq3A = arith.constant 15 : i32
    %eq3A_61 = vector.broadcast %eq3A : i32 to vector<16xi32>
    %eq3A_62 = arith.cmpi eq, %iota3A, %eq3A_61 : vector<16xi32>
    %dma_wait3A = arith.constant 0 : i32
    %dma_wait3A_63 = tpu.memref_slice %arg2[%mul3A_2, %dma_wait3A] : memref<16384x128xf32, #tpu.memory_space<hbm>> -> memref<512x128xf32, #tpu.memory_space<hbm>>
    %dma_wait3A_64 = arith.constant 0 : i32
    %dma_wait3A_65 = tpu.memref_slice %arg2[%mul3A_2, %dma_wait3A_64] : memref<16384x128xf32, #tpu.memory_space<hbm>> -> memref<512x128xf32, #tpu.memory_space<hbm>>
    tpu.wait_dma2 semaphore(%arg14 : memref<!tpu.dma_semaphore, #tpu.memory_space<semaphore_mem>>) src(%dma_wait3A_65 : memref<512x128xf32, #tpu.memory_space<hbm>>) dst(%arg9 : memref<512x128xf32, #tpu.memory_space<vmem>>)
    %dma_wait3A_66 = arith.constant 0 : i32
    %dma_wait3A_67 = arith.constant 0 : i32
    %dma_wait3A_68 = arith.constant 0 : i32
    %dma_wait3A_69 = arith.constant 0 : i32
    %dma_wait3A_70 = tpu.memref_slice %arg10[%dma_wait3A_67, %dma_wait3A_68, %dma_wait3A_69] : memref<3x128x128xf32, #tpu.memory_space<vmem>> -> memref<1x128x128xf32, #tpu.memory_space<vmem>>
    %dma_wait3A_71 = tpu.memref_squeeze %dma_wait3A_70 : memref<1x128x128xf32, #tpu.memory_space<vmem>> -> memref<128x128xf32, #tpu.memory_space<vmem>>
    %dma_wait3A_72 = arith.constant 0 : i32
    %dma_wait3A_73 = tpu.memref_slice %arg8[%dma_wait3A_66, %dma_wait3A_72] : memref<4x128xi32, #tpu.memory_space<vmem>> -> memref<1x128xi32, #tpu.memory_space<vmem>>
    %dma_wait3A_74 = tpu.memref_squeeze %dma_wait3A_73 : memref<1x128xi32, #tpu.memory_space<vmem>> -> memref<128xi32, #tpu.memory_space<vmem>>
    %dma_wait3A_75 = arith.constant 0 : i32
    %dma_wait3A_76 = arith.constant 0 : i32
    %dma_wait3A_77 = tpu.memref_slice %arg6[%dma_wait3A_75, %dma_wait3A_76] : memref<100000x128xf32, #tpu.memory_space<hbm>> -> memref<100000x128xf32, #tpu.memory_space<hbm>>
    tpu.wait_indirect_dma semaphore(%arg15 : memref<!tpu.dma_semaphore, #tpu.memory_space<semaphore_mem>>) src(%dma_wait3A_77 : memref<100000x128xf32, #tpu.memory_space<hbm>>) dst(%dma_wait3A_71 : memref<128x128xf32, #tpu.memory_space<vmem>>)
    %scan3A = arith.constant 0 : i32
    %scan3A_78 = arith.constant 0 : i32
    %add3A_79 = arith.constant 0 : i32
    %add3A_80 = arith.addi %add3A_79, %scan3A_78 : i32
    %get3A_81 = arith.constant 0 : i32
    %get3A_82 = arith.index_cast %get3A_81 : i32 to index
    %get3A_83 = arith.index_cast %scan3A_78 : i32 to index
    %get3A_84 = arith.constant 0 : index
    %get3A_85 = tpu.vector_load %arg10[%get3A_82, %get3A_83, %get3A_84] {strides = array<i32>} : memref<3x128x128xf32, #tpu.memory_space<vmem>>, vector<16xf32>,
    %add3A_86 = arith.addf %get3A_85, %get3A_44 : vector<16xf32>
    %get3A_87 = arith.index_cast %add3A_80 : i32 to index
    %get3A_88 = arith.constant 0 : index
    %get3A_89 = tpu.vector_load %arg9[%get3A_87, %get3A_88] {strides = array<i32>} : memref<512x128xf32, #tpu.memory_space<vmem>>, vector<16xf32>,
    %mul3A_90 = arith.mulf %add3A_86, %get3A_89 : vector<16xf32>
    %add3A_91 = arith.addf %get3A_60, %mul3A_90 : vector<16xf32>
    %get3A_92 = arith.constant 0 : i32
    %get3A_93 = arith.index_cast %get3A_92 : i32 to index
    %get3A_94 = arith.index_cast %scan3A_78 : i32 to index
    %get3A_95 = arith.constant 16 : index
    %get3A_96 = tpu.vector_load %arg10[%get3A_93, %get3A_94, %get3A_95] {strides = array<i32>} : memref<3x128x128xf32, #tpu.memory_space<vmem>>, vector<16xf32>,
    %add3A_97 = arith.addf %get3A_96, %get3A_46 : vector<16xf32>
    %get3A_98 = arith.index_cast %add3A_80 : i32 to index
    %get3A_99 = arith.constant 16 : index
    %get3A_100 = tpu.vector_load %arg9[%get3A_98, %get3A_99] {strides = array<i32>} : memref<512x128xf32, #tpu.memory_space<vmem>>, vector<16xf32>,
    %mul3A_101 = arith.mulf %add3A_97, %get3A_100 : vector<16xf32>
    %add3A_102 = arith.addf %add3A_91, %mul3A_101 : vector<16xf32>
    %get3A_103 = arith.constant 0 : i32
    %get3A_104 = arith.index_cast %get3A_103 : i32 to index
    %get3A_105 = arith.index_cast %scan3A_78 : i32 to index
    %get3A_106 = arith.constant 32 : index
    %get3A_107 = tpu.vector_load %arg10[%get3A_104, %get3A_105, %get3A_106] {strides = array<i32>} : memref<3x128x128xf32, #tpu.memory_space<vmem>>, vector<16xf32>,
    %add3A_108 = arith.addf %get3A_107, %get3A_48 : vector<16xf32>
    %get3A_109 = arith.index_cast %add3A_80 : i32 to index
    %get3A_110 = arith.constant 32 : index
    %get3A_111 = tpu.vector_load %arg9[%get3A_109, %get3A_110] {strides = array<i32>} : memref<512x128xf32, #tpu.memory_space<vmem>>, vector<16xf32>,
    %mul3A_112 = arith.mulf %add3A_108, %get3A_111 : vector<16xf32>
    %add3A_113 = arith.addf %add3A_102, %mul3A_112 : vector<16xf32>
    %get3A_114 = arith.constant 0 : i32
    %get3A_115 = arith.index_cast %get3A_114 : i32 to index
    %get3A_116 = arith.index_cast %scan3A_78 : i32 to index
    %get3A_117 = arith.constant 48 : index
    %get3A_118 = tpu.vector_load %arg10[%get3A_115, %get3A_116, %get3A_117] {strides = array<i32>} : memref<3x128x128xf32, #tpu.memory_space<vmem>>, vector<16xf32>,
    %add3A_119 = arith.addf %get3A_118, %get3A_50 : vector<16xf32>
    %get3A_120 = arith.index_cast %add3A_80 : i32 to index
    %get3A_121 = arith.constant 48 : index
    %get3A_122 = tpu.vector_load %arg9[%get3A_120, %get3A_121] {strides = array<i32>} : memref<512x128xf32, #tpu.memory_space<vmem>>, vector<16xf32>,
    %mul3A_123 = arith.mulf %add3A_119, %get3A_122 : vector<16xf32>
    %add3A_124 = arith.addf %add3A_113, %mul3A_123 : vector<16xf32>
    %get3A_125 = arith.constant 0 : i32
    %get3A_126 = arith.index_cast %get3A_125 : i32 to index
    %get3A_127 = arith.index_cast %scan3A_78 : i32 to index
    %get3A_128 = arith.constant 64 : index
    %get3A_129 = tpu.vector_load %arg10[%get3A_126, %get3A_127, %get3A_128] {strides = array<i32>} : memref<3x128x128xf32, #tpu.memory_space<vmem>>, vector<16xf32>,
    %add3A_130 = arith.addf %get3A_129, %get3A_52 : vector<16xf32>
    %get3A_131 = arith.index_cast %add3A_80 : i32 to index
    %get3A_132 = arith.constant 64 : index
    %get3A_133 = tpu.vector_load %arg9[%get3A_131, %get3A_132] {strides = array<i32>} : memref<512x128xf32, #tpu.memory_space<vmem>>, vector<16xf32>,
    %mul3A_134 = arith.mulf %add3A_130, %get3A_133 : vector<16xf32>
    %add3A_135 = arith.addf %add3A_124, %mul3A_134 : vector<16xf32>
    %get3A_136 = arith.constant 0 : i32
    %get3A_137 = arith.index_cast %get3A_136 : i32 to index
    %get3A_138 = arith.index_cast %scan3A_78 : i32 to index
    %get3A_139 = arith.constant 80 : index
    %get3A_140 = tpu.vector_load %arg10[%get3A_137, %get3A_138, %get3A_139] {strides = array<i32>} : memref<3x128x128xf32, #tpu.memory_space<vmem>>, vector<16xf32>,
    %add3A_141 = arith.addf %get3A_140, %get3A_54 : vector<16xf32>
    %get3A_142 = arith.index_cast %add3A_80 : i32 to index
    %get3A_143 = arith.constant 80 : index
    %get3A_144 = tpu.vector_load %arg9[%get3A_142, %get3A_143] {strides = array<i32>} : memref<512x128xf32, #tpu.memory_space<vmem>>, vector<16xf32>,
    %mul3A_145 = arith.mulf %add3A_141, %get3A_144 : vector<16xf32>
    %add3A_146 = arith.addf %add3A_135, %mul3A_145 : vector<16xf32>
    %get3A_147 = arith.constant 0 : i32
    %get3A_148 = arith.index_cast %get3A_147 : i32 to index
    %get3A_149 = arith.index_cast %scan3A_78 : i32 to index
    %get3A_150 = arith.constant 96 : index
    %get3A_151 = tpu.vector_load %arg10[%get3A_148, %get3A_149, %get3A_150] {strides = array<i32>} : memref<3x128x128xf32, #tpu.memory_space<vmem>>, vector<16xf32>,
    %add3A_152 = arith.addf %get3A_151, %get3A_56 : vector<16xf32>
    %get3A_153 = arith.index_cast %add3A_80 : i32 to index
    %get3A_154 = arith.constant 96 : index
    %get3A_155 = tpu.vector_load %arg9[%get3A_153, %get3A_154] {strides = array<i32>} : memref<512x128xf32, #tpu.memory_space<vmem>>, vector<16xf32>,
    %mul3A_156 = arith.mulf %add3A_152, %get3A_155 : vector<16xf32>
    %add3A_157 = arith.addf %add3A_146, %mul3A_156 : vector<16xf32>
    %get3A_158 = arith.constant 0 : i32
    %get3A_159 = arith.index_cast %get3A_158 : i32 to index
    %get3A_160 = arith.index_cast %scan3A_78 : i32 to index
    %get3A_161 = arith.constant 112 : index
    %get3A_162 = tpu.vector_load %arg10[%get3A_159, %get3A_160, %get3A_161] {strides = array<i32>} : memref<3x128x128xf32, #tpu.memory_space<vmem>>, vector<16xf32>,
    %add3A_163 = arith.addf %get3A_162, %get3A_58 : vector<16xf32>
    %get3A_164 = arith.index_cast %add3A_80 : i32 to index
    %get3A_165 = arith.constant 112 : index
    %get3A_166 = tpu.vector_load %arg9[%get3A_164, %get3A_165] {strides = array<i32>} : memref<512x128xf32, #tpu.memory_space<vmem>>, vector<16xf32>,
    %mul3A_167 = arith.mulf %add3A_163, %get3A_166 : vector<16xf32>
    %add3A_168 = arith.addf %add3A_157, %mul3A_167 : vector<16xf32>
    %broadcast_in_dim3A_169 = arith.constant true
    %broadcast_in_dim3A_170 = vector.broadcast %broadcast_in_dim3A_169 : i1 to vector<16xi1>
    %masked_cumsum3A = tpu.scan <sum>, %add3A_168 masked %broadcast_in_dim3A_170 : vector<16xf32>, vector<16xi1> -> vector<16xf32>
    %add3A_171 = arith.constant 0 : i32
    %add3A_172 = arith.addi %add3A_171, %scan3A_78 : i32
    %swap3A_173 = arith.index_cast %add3A_172 : i32 to index
    %swap3A_174 = tpu.vector_load %arg13[%swap3A_173] masked %eq3A_62 {strides = array<i32>} : memref<528xf32, #tpu.memory_space<vmem>>, vector<16xf32>, vector<16xi1>
    tpu.vector_store %arg13[%swap3A_173], %masked_cumsum3A masked %eq3A_62 {strides = array<i32>} : memref<528xf32, #tpu.memory_space<vmem>>, vector<16xf32>, vector<16xi1>
    %scan3A_175 = arith.constant 1 : i32
    %dma_start3A_176 = arith.constant 3 : i32
    %dma_start3A_177 = arith.constant 0 : i32
    %dma_start3A_178 = arith.constant 0 : i32
    %dma_start3A_179 = arith.constant 0 : i32
    %dma_start3A_180 = tpu.memref_slice %arg10[%dma_start3A_177, %dma_start3A_178, %dma_start3A_179] : memref<3x128x128xf32, #tpu.memory_space<vmem>> -> memref<1x128x128xf32, #tpu.memory_space<vmem>>
    %dma_start3A_181 = tpu.memref_squeeze %dma_start3A_180 : memref<1x128x128xf32, #tpu.memory_space<vmem>> -> memref<128x128xf32, #tpu.memory_space<vmem>>
    %dma_start3A_182 = arith.constant 0 : i32
    %dma_start3A_183 = tpu.memref_slice %arg8[%dma_start3A_176, %dma_start3A_182] : memref<4x128xi32, #tpu.memory_space<vmem>> -> memref<1x128xi32, #tpu.memory_space<vmem>>
    %dma_start3A_184 = tpu.memref_squeeze %dma_start3A_183 : memref<1x128xi32, #tpu.memory_space<vmem>> -> memref<128xi32, #tpu.memory_space<vmem>>
    %dma_start3A_185 = arith.constant 0 : i32
    %dma_start3A_186 = arith.constant 0 : i32
    %dma_start3A_187 = tpu.memref_slice %arg6[%dma_start3A_185, %dma_start3A_186] : memref<100000x128xf32, #tpu.memory_space<hbm>> -> memref<100000x128xf32, #tpu.memory_space<hbm>>
    tpu.enqueue_indirect_dma source(%dma_start3A_187 : memref<100000x128xf32, #tpu.memory_space<hbm>>) target(%dma_start3A_181 : memref<128x128xf32, #tpu.memory_space<vmem>>) offsets(%dma_start3A_184 : memref<128xi32, #tpu.memory_space<vmem>>) semaphore(%arg15 : memref<!tpu.dma_semaphore, #tpu.memory_space<semaphore_mem>>)
    %dma_wait3A_188 = arith.constant 1 : i32
    %dma_wait3A_189 = arith.constant 1 : i32
    %dma_wait3A_190 = arith.constant 0 : i32
    %dma_wait3A_191 = arith.constant 0 : i32
    %dma_wait3A_192 = tpu.memref_slice %arg10[%dma_wait3A_189, %dma_wait3A_190, %dma_wait3A_191] : memref<3x128x128xf32, #tpu.memory_space<vmem>> -> memref<1x128x128xf32, #tpu.memory_space<vmem>>
    %dma_wait3A_193 = tpu.memref_squeeze %dma_wait3A_192 : memref<1x128x128xf32, #tpu.memory_space<vmem>> -> memref<128x128xf32, #tpu.memory_space<vmem>>
    %dma_wait3A_194 = arith.constant 0 : i32
    %dma_wait3A_195 = tpu.memref_slice %arg8[%dma_wait3A_188, %dma_wait3A_194] : memref<4x128xi32, #tpu.memory_space<vmem>> -> memref<1x128xi32, #tpu.memory_space<vmem>>
    %dma_wait3A_196 = tpu.memref_squeeze %dma_wait3A_195 : memref<1x128xi32, #tpu.memory_space<vmem>> -> memref<128xi32, #tpu.memory_space<vmem>>
    %dma_wait3A_197 = arith.constant 0 : i32
    %dma_wait3A_198 = arith.constant 0 : i32
    %dma_wait3A_199 = tpu.memref_slice %arg6[%dma_wait3A_197, %dma_wait3A_198] : memref<100000x128xf32, #tpu.memory_space<hbm>> -> memref<100000x128xf32, #tpu.memory_space<hbm>>
    tpu.wait_indirect_dma semaphore(%arg16 : memref<!tpu.dma_semaphore, #tpu.memory_space<semaphore_mem>>) src(%dma_wait3A_199 : memref<100000x128xf32, #tpu.memory_space<hbm>>) dst(%dma_wait3A_193 : memref<128x128xf32, #tpu.memory_space<vmem>>)
    %scan3A_200 = arith.constant 0 : i32
    %scan3A_201 = arith.constant 0 : i32
    %add3A_202 = arith.constant 128 : i32
    %add3A_203 = arith.addi %add3A_202, %scan3A_201 : i32
    %get3A_204 = arith.constant 1 : i32
    %get3A_205 = arith.index_cast %get3A_204 : i32 to index
    %get3A_206 = arith.index_cast %scan3A_201 : i32 to index
    %get3A_207 = arith.constant 0 : index
    %get3A_208 = tpu.vector_load %arg10[%get3A_205, %get3A_206, %get3A_207] {strides = array<i32>} : memref<3x128x128xf32, #tpu.memory_space<vmem>>, vector<16xf32>,
    %add3A_209 = arith.addf %get3A_208, %get3A_44 : vector<16xf32>
    %get3A_210 = arith.index_cast %add3A_203 : i32 to index
    %get3A_211 = arith.constant 0 : index
    %get3A_212 = tpu.vector_load %arg9[%get3A_210, %get3A_211] {strides = array<i32>} : memref<512x128xf32, #tpu.memory_space<vmem>>, vector<16xf32>,
    %mul3A_213 = arith.mulf %add3A_209, %get3A_212 : vector<16xf32>
    %add3A_214 = arith.addf %get3A_60, %mul3A_213 : vector<16xf32>
    %get3A_215 = arith.constant 1 : i32
    %get3A_216 = arith.index_cast %get3A_215 : i32 to index
    %get3A_217 = arith.index_cast %scan3A_201 : i32 to index
    %get3A_218 = arith.constant 16 : index
    %get3A_219 = tpu.vector_load %arg10[%get3A_216, %get3A_217, %get3A_218] {strides = array<i32>} : memref<3x128x128xf32, #tpu.memory_space<vmem>>, vector<16xf32>,
    %add3A_220 = arith.addf %get3A_219, %get3A_46 : vector<16xf32>
    %get3A_221 = arith.index_cast %add3A_203 : i32 to index
    %get3A_222 = arith.constant 16 : index
    %get3A_223 = tpu.vector_load %arg9[%get3A_221, %get3A_222] {strides = array<i32>} : memref<512x128xf32, #tpu.memory_space<vmem>>, vector<16xf32>,
    %mul3A_224 = arith.mulf %add3A_220, %get3A_223 : vector<16xf32>
    %add3A_225 = arith.addf %add3A_214, %mul3A_224 : vector<16xf32>
    %get3A_226 = arith.constant 1 : i32
    %get3A_227 = arith.index_cast %get3A_226 : i32 to index
    %get3A_228 = arith.index_cast %scan3A_201 : i32 to index
    %get3A_229 = arith.constant 32 : index
    %get3A_230 = tpu.vector_load %arg10[%get3A_227, %get3A_228, %get3A_229] {strides = array<i32>} : memref<3x128x128xf32, #tpu.memory_space<vmem>>, vector<16xf32>,
    %add3A_231 = arith.addf %get3A_230, %get3A_48 : vector<16xf32>
    %get3A_232 = arith.index_cast %add3A_203 : i32 to index
    %get3A_233 = arith.constant 32 : index
    %get3A_234 = tpu.vector_load %arg9[%get3A_232, %get3A_233] {strides = array<i32>} : memref<512x128xf32, #tpu.memory_space<vmem>>, vector<16xf32>,
    %mul3A_235 = arith.mulf %add3A_231, %get3A_234 : vector<16xf32>
    %add3A_236 = arith.addf %add3A_225, %mul3A_235 : vector<16xf32>
    %get3A_237 = arith.constant 1 : i32
    %get3A_238 = arith.index_cast %get3A_237 : i32 to index
    %get3A_239 = arith.index_cast %scan3A_201 : i32 to index
    %get3A_240 = arith.constant 48 : index
    %get3A_241 = tpu.vector_load %arg10[%get3A_238, %get3A_239, %get3A_240] {strides = array<i32>} : memref<3x128x128xf32, #tpu.memory_space<vmem>>, vector<16xf32>,
    %add3A_242 = arith.addf %get3A_241, %get3A_50 : vector<16xf32>
    %get3A_243 = arith.index_cast %add3A_203 : i32 to index
    %get3A_244 = arith.constant 48 : index
    %get3A_245 = tpu.vector_load %arg9[%get3A_243, %get3A_244] {strides = array<i32>} : memref<512x128xf32, #tpu.memory_space<vmem>>, vector<16xf32>,
    %mul3A_246 = arith.mulf %add3A_242, %get3A_245 : vector<16xf32>
    %add3A_247 = arith.addf %add3A_236, %mul3A_246 : vector<16xf32>
    %get3A_248 = arith.constant 1 : i32
    %get3A_249 = arith.index_cast %get3A_248 : i32 to index
    %get3A_250 = arith.index_cast %scan3A_201 : i32 to index
    %get3A_251 = arith.constant 64 : index
    %get3A_252 = tpu.vector_load %arg10[%get3A_249, %get3A_250, %get3A_251] {strides = array<i32>} : memref<3x128x128xf32, #tpu.memory_space<vmem>>, vector<16xf32>,
    %add3A_253 = arith.addf %get3A_252, %get3A_52 : vector<16xf32>
    %get3A_254 = arith.index_cast %add3A_203 : i32 to index
    %get3A_255 = arith.constant 64 : index
    %get3A_256 = tpu.vector_load %arg9[%get3A_254, %get3A_255] {strides = array<i32>} : memref<512x128xf32, #tpu.memory_space<vmem>>, vector<16xf32>,
    %mul3A_257 = arith.mulf %add3A_253, %get3A_256 : vector<16xf32>
    %add3A_258 = arith.addf %add3A_247, %mul3A_257 : vector<16xf32>
    %get3A_259 = arith.constant 1 : i32
    %get3A_260 = arith.index_cast %get3A_259 : i32 to index
    %get3A_261 = arith.index_cast %scan3A_201 : i32 to index
    %get3A_262 = arith.constant 80 : index
    %get3A_263 = tpu.vector_load %arg10[%get3A_260, %get3A_261, %get3A_262] {strides = array<i32>} : memref<3x128x128xf32, #tpu.memory_space<vmem>>, vector<16xf32>,
    %add3A_264 = arith.addf %get3A_263, %get3A_54 : vector<16xf32>
    %get3A_265 = arith.index_cast %add3A_203 : i32 to index
    %get3A_266 = arith.constant 80 : index
    %get3A_267 = tpu.vector_load %arg9[%get3A_265, %get3A_266] {strides = array<i32>} : memref<512x128xf32, #tpu.memory_space<vmem>>, vector<16xf32>,
    %mul3A_268 = arith.mulf %add3A_264, %get3A_267 : vector<16xf32>
    %add3A_269 = arith.addf %add3A_258, %mul3A_268 : vector<16xf32>
    %get3A_270 = arith.constant 1 : i32
    %get3A_271 = arith.index_cast %get3A_270 : i32 to index
    %get3A_272 = arith.index_cast %scan3A_201 : i32 to index
    %get3A_273 = arith.constant 96 : index
    %get3A_274 = tpu.vector_load %arg10[%get3A_271, %get3A_272, %get3A_273] {strides = array<i32>} : memref<3x128x128xf32, #tpu.memory_space<vmem>>, vector<16xf32>,
    %add3A_275 = arith.addf %get3A_274, %get3A_56 : vector<16xf32>
    %get3A_276 = arith.index_cast %add3A_203 : i32 to index
    %get3A_277 = arith.constant 96 : index
    %get3A_278 = tpu.vector_load %arg9[%get3A_276, %get3A_277] {strides = array<i32>} : memref<512x128xf32, #tpu.memory_space<vmem>>, vector<16xf32>,
    %mul3A_279 = arith.mulf %add3A_275, %get3A_278 : vector<16xf32>
    %add3A_280 = arith.addf %add3A_269, %mul3A_279 : vector<16xf32>
    %get3A_281 = arith.constant 1 : i32
    %get3A_282 = arith.index_cast %get3A_281 : i32 to index
    %get3A_283 = arith.index_cast %scan3A_201 : i32 to index
    %get3A_284 = arith.constant 112 : index
    %get3A_285 = tpu.vector_load %arg10[%get3A_282, %get3A_283, %get3A_284] {strides = array<i32>} : memref<3x128x128xf32, #tpu.memory_space<vmem>>, vector<16xf32>,
    %add3A_286 = arith.addf %get3A_285, %get3A_58 : vector<16xf32>
    %get3A_287 = arith.index_cast %add3A_203 : i32 to index
    %get3A_288 = arith.constant 112 : index
    %get3A_289 = tpu.vector_load %arg9[%get3A_287, %get3A_288] {strides = array<i32>} : memref<512x128xf32, #tpu.memory_space<vmem>>, vector<16xf32>,
    %mul3A_290 = arith.mulf %add3A_286, %get3A_289 : vector<16xf32>
    %add3A_291 = arith.addf %add3A_280, %mul3A_290 : vector<16xf32>
    %broadcast_in_dim3A_292 = arith.constant true
    %broadcast_in_dim3A_293 = vector.broadcast %broadcast_in_dim3A_292 : i1 to vector<16xi1>
    %masked_cumsum3A_294 = tpu.scan <sum>, %add3A_291 masked %broadcast_in_dim3A_293 : vector<16xf32>, vector<16xi1> -> vector<16xf32>
    %add3A_295 = arith.constant 128 : i32
    %add3A_296 = arith.addi %add3A_295, %scan3A_201 : i32
    %swap3A_297 = arith.index_cast %add3A_296 : i32 to index
    %swap3A_298 = tpu.vector_load %arg13[%swap3A_297] masked %eq3A_62 {strides = array<i32>} : memref<528xf32, #tpu.memory_space<vmem>>, vector<16xf32>, vector<16xi1>
    tpu.vector_store %arg13[%swap3A_297], %masked_cumsum3A_294 masked %eq3A_62 {strides = array<i32>} : memref<528xf32, #tpu.memory_space<vmem>>, vector<16xf32>, vector<16xi1>
    %scan3A_299 = arith.constant 1 : i32
    %dma_wait3A_300 = arith.constant 2 : i32
    %dma_wait3A_301 = arith.constant 2 : i32
    %dma_wait3A_302 = arith.constant 0 : i32
    %dma_wait3A_303 = arith.constant 0 : i32
    %dma_wait3A_304 = tpu.memref_slice %arg10[%dma_wait3A_301, %dma_wait3A_302, %dma_wait3A_303] : memref<3x128x128xf32, #tpu.memory_space<vmem>> -> memref<1x128x128xf32, #tpu.memory_space<vmem>>
    %dma_wait3A_305 = tpu.memref_squeeze %dma_wait3A_304 : memref<1x128x128xf32, #tpu.memory_space<vmem>> -> memref<128x128xf32, #tpu.memory_space<vmem>>
    %dma_wait3A_306 = arith.constant 0 : i32
    %dma_wait3A_307 = tpu.memref_slice %arg8[%dma_wait3A_300, %dma_wait3A_306] : memref<4x128xi32, #tpu.memory_space<vmem>> -> memref<1x128xi32, #tpu.memory_space<vmem>>
    %dma_wait3A_308 = tpu.memref_squeeze %dma_wait3A_307 : memref<1x128xi32, #tpu.memory_space<vmem>> -> memref<128xi32, #tpu.memory_space<vmem>>
    %dma_wait3A_309 = arith.constant 0 : i32
    %dma_wait3A_310 = arith.constant 0 : i32
    %dma_wait3A_311 = tpu.memref_slice %arg6[%dma_wait3A_309, %dma_wait3A_310] : memref<100000x128xf32, #tpu.memory_space<hbm>> -> memref<100000x128xf32, #tpu.memory_space<hbm>>
    tpu.wait_indirect_dma semaphore(%arg17 : memref<!tpu.dma_semaphore, #tpu.memory_space<semaphore_mem>>) src(%dma_wait3A_311 : memref<100000x128xf32, #tpu.memory_space<hbm>>) dst(%dma_wait3A_305 : memref<128x128xf32, #tpu.memory_space<vmem>>)
    %scan3A_312 = arith.constant 0 : i32
    %scan3A_313 = arith.constant 0 : i32
    %add3A_314 = arith.constant 256 : i32
    %add3A_315 = arith.addi %add3A_314, %scan3A_313 : i32
    %get3A_316 = arith.constant 2 : i32
    %get3A_317 = arith.index_cast %get3A_316 : i32 to index
    %get3A_318 = arith.index_cast %scan3A_313 : i32 to index
    %get3A_319 = arith.constant 0 : index
    %get3A_320 = tpu.vector_load %arg10[%get3A_317, %get3A_318, %get3A_319] {strides = array<i32>} : memref<3x128x128xf32, #tpu.memory_space<vmem>>, vector<16xf32>,
    %add3A_321 = arith.addf %get3A_320, %get3A_44 : vector<16xf32>
    %get3A_322 = arith.index_cast %add3A_315 : i32 to index
    %get3A_323 = arith.constant 0 : index
    %get3A_324 = tpu.vector_load %arg9[%get3A_322, %get3A_323] {strides = array<i32>} : memref<512x128xf32, #tpu.memory_space<vmem>>, vector<16xf32>,
    %mul3A_325 = arith.mulf %add3A_321, %get3A_324 : vector<16xf32>
    %add3A_326 = arith.addf %get3A_60, %mul3A_325 : vector<16xf32>
    %get3A_327 = arith.constant 2 : i32
    %get3A_328 = arith.index_cast %get3A_327 : i32 to index
    %get3A_329 = arith.index_cast %scan3A_313 : i32 to index
    %get3A_330 = arith.constant 16 : index
    %get3A_331 = tpu.vector_load %arg10[%get3A_328, %get3A_329, %get3A_330] {strides = array<i32>} : memref<3x128x128xf32, #tpu.memory_space<vmem>>, vector<16xf32>,
    %add3A_332 = arith.addf %get3A_331, %get3A_46 : vector<16xf32>
    %get3A_333 = arith.index_cast %add3A_315 : i32 to index
    %get3A_334 = arith.constant 16 : index
    %get3A_335 = tpu.vector_load %arg9[%get3A_333, %get3A_334] {strides = array<i32>} : memref<512x128xf32, #tpu.memory_space<vmem>>, vector<16xf32>,
    %mul3A_336 = arith.mulf %add3A_332, %get3A_335 : vector<16xf32>
    %add3A_337 = arith.addf %add3A_326, %mul3A_336 : vector<16xf32>
    %get3A_338 = arith.constant 2 : i32
    %get3A_339 = arith.index_cast %get3A_338 : i32 to index
    %get3A_340 = arith.index_cast %scan3A_313 : i32 to index
    %get3A_341 = arith.constant 32 : index
    %get3A_342 = tpu.vector_load %arg10[%get3A_339, %get3A_340, %get3A_341] {strides = array<i32>} : memref<3x128x128xf32, #tpu.memory_space<vmem>>, vector<16xf32>,
    %add3A_343 = arith.addf %get3A_342, %get3A_48 : vector<16xf32>
    %get3A_344 = arith.index_cast %add3A_315 : i32 to index
    %get3A_345 = arith.constant 32 : index
    %get3A_346 = tpu.vector_load %arg9[%get3A_344, %get3A_345] {strides = array<i32>} : memref<512x128xf32, #tpu.memory_space<vmem>>, vector<16xf32>,
    %mul3A_347 = arith.mulf %add3A_343, %get3A_346 : vector<16xf32>
    %add3A_348 = arith.addf %add3A_337, %mul3A_347 : vector<16xf32>
    %get3A_349 = arith.constant 2 : i32
    %get3A_350 = arith.index_cast %get3A_349 : i32 to index
    %get3A_351 = arith.index_cast %scan3A_313 : i32 to index
    %get3A_352 = arith.constant 48 : index
    %get3A_353 = tpu.vector_load %arg10[%get3A_350, %get3A_351, %get3A_352] {strides = array<i32>} : memref<3x128x128xf32, #tpu.memory_space<vmem>>, vector<16xf32>,
    %add3A_354 = arith.addf %get3A_353, %get3A_50 : vector<16xf32>
    %get3A_355 = arith.index_cast %add3A_315 : i32 to index
    %get3A_356 = arith.constant 48 : index
    %get3A_357 = tpu.vector_load %arg9[%get3A_355, %get3A_356] {strides = array<i32>} : memref<512x128xf32, #tpu.memory_space<vmem>>, vector<16xf32>,
    %mul3A_358 = arith.mulf %add3A_354, %get3A_357 : vector<16xf32>
    %add3A_359 = arith.addf %add3A_348, %mul3A_358 : vector<16xf32>
    %get3A_360 = arith.constant 2 : i32
    %get3A_361 = arith.index_cast %get3A_360 : i32 to index
    %get3A_362 = arith.index_cast %scan3A_313 : i32 to index
    %get3A_363 = arith.constant 64 : index
    %get3A_364 = tpu.vector_load %arg10[%get3A_361, %get3A_362, %get3A_363] {strides = array<i32>} : memref<3x128x128xf32, #tpu.memory_space<vmem>>, vector<16xf32>,
    %add3A_365 = arith.addf %get3A_364, %get3A_52 : vector<16xf32>
    %get3A_366 = arith.index_cast %add3A_315 : i32 to index
    %get3A_367 = arith.constant 64 : index
    %get3A_368 = tpu.vector_load %arg9[%get3A_366, %get3A_367] {strides = array<i32>} : memref<512x128xf32, #tpu.memory_space<vmem>>, vector<16xf32>,
    %mul3A_369 = arith.mulf %add3A_365, %get3A_368 : vector<16xf32>
    %add3A_370 = arith.addf %add3A_359, %mul3A_369 : vector<16xf32>
    %get3A_371 = arith.constant 2 : i32
    %get3A_372 = arith.index_cast %get3A_371 : i32 to index
    %get3A_373 = arith.index_cast %scan3A_313 : i32 to index
    %get3A_374 = arith.constant 80 : index
    %get3A_375 = tpu.vector_load %arg10[%get3A_372, %get3A_373, %get3A_374] {strides = array<i32>} : memref<3x128x128xf32, #tpu.memory_space<vmem>>, vector<16xf32>,
    %add3A_376 = arith.addf %get3A_375, %get3A_54 : vector<16xf32>
    %get3A_377 = arith.index_cast %add3A_315 : i32 to index
    %get3A_378 = arith.constant 80 : index
    %get3A_379 = tpu.vector_load %arg9[%get3A_377, %get3A_378] {strides = array<i32>} : memref<512x128xf32, #tpu.memory_space<vmem>>, vector<16xf32>,
    %mul3A_380 = arith.mulf %add3A_376, %get3A_379 : vector<16xf32>
    %add3A_381 = arith.addf %add3A_370, %mul3A_380 : vector<16xf32>
    %get3A_382 = arith.constant 2 : i32
    %get3A_383 = arith.index_cast %get3A_382 : i32 to index
    %get3A_384 = arith.index_cast %scan3A_313 : i32 to index
    %get3A_385 = arith.constant 96 : index
    %get3A_386 = tpu.vector_load %arg10[%get3A_383, %get3A_384, %get3A_385] {strides = array<i32>} : memref<3x128x128xf32, #tpu.memory_space<vmem>>, vector<16xf32>,
    %add3A_387 = arith.addf %get3A_386, %get3A_56 : vector<16xf32>
    %get3A_388 = arith.index_cast %add3A_315 : i32 to index
    %get3A_389 = arith.constant 96 : index
    %get3A_390 = tpu.vector_load %arg9[%get3A_388, %get3A_389] {strides = array<i32>} : memref<512x128xf32, #tpu.memory_space<vmem>>, vector<16xf32>,
    %mul3A_391 = arith.mulf %add3A_387, %get3A_390 : vector<16xf32>
    %add3A_392 = arith.addf %add3A_381, %mul3A_391 : vector<16xf32>
    %get3A_393 = arith.constant 2 : i32
    %get3A_394 = arith.index_cast %get3A_393 : i32 to index
    %get3A_395 = arith.index_cast %scan3A_313 : i32 to index
    %get3A_396 = arith.constant 112 : index
    %get3A_397 = tpu.vector_load %arg10[%get3A_394, %get3A_395, %get3A_396] {strides = array<i32>} : memref<3x128x128xf32, #tpu.memory_space<vmem>>, vector<16xf32>,
    %add3A_398 = arith.addf %get3A_397, %get3A_58 : vector<16xf32>
    %get3A_399 = arith.index_cast %add3A_315 : i32 to index
    %get3A_400 = arith.constant 112 : index
    %get3A_401 = tpu.vector_load %arg9[%get3A_399, %get3A_400] {strides = array<i32>} : memref<512x128xf32, #tpu.memory_space<vmem>>, vector<16xf32>,
    %mul3A_402 = arith.mulf %add3A_398, %get3A_401 : vector<16xf32>
    %add3A_403 = arith.addf %add3A_392, %mul3A_402 : vector<16xf32>
    %broadcast_in_dim3A_404 = arith.constant true
    %broadcast_in_dim3A_405 = vector.broadcast %broadcast_in_dim3A_404 : i1 to vector<16xi1>
    %masked_cumsum3A_406 = tpu.scan <sum>, %add3A_403 masked %broadcast_in_dim3A_405 : vector<16xf32>, vector<16xi1> -> vector<16xf32>
    %add3A_407 = arith.constant 256 : i32
    %add3A_408 = arith.addi %add3A_407, %scan3A_313 : i32
    %swap3A_409 = arith.index_cast %add3A_408 : i32 to index
    %swap3A_410 = tpu.vector_load %arg13[%swap3A_409] masked %eq3A_62 {strides = array<i32>} : memref<528xf32, #tpu.memory_space<vmem>>, vector<16xf32>, vector<16xi1>
    tpu.vector_store %arg13[%swap3A_409], %masked_cumsum3A_406 masked %eq3A_62 {strides = array<i32>} : memref<528xf32, #tpu.memory_space<vmem>>, vector<16xf32>, vector<16xi1>
    %scan3A_411 = arith.constant 1 : i32
    %dma_wait3A_412 = arith.constant 3 : i32
    %dma_wait3A_413 = arith.constant 0 : i32
    %dma_wait3A_414 = arith.constant 0 : i32
    %dma_wait3A_415 = arith.constant 0 : i32
    %dma_wait3A_416 = tpu.memref_slice %arg10[%dma_wait3A_413, %dma_wait3A_414, %dma_wait3A_415] : memref<3x128x128xf32, #tpu.memory_space<vmem>> -> memref<1x128x128xf32, #tpu.memory_space<vmem>>
    %dma_wait3A_417 = tpu.memref_squeeze %dma_wait3A_416 : memref<1x128x128xf32, #tpu.memory_space<vmem>> -> memref<128x128xf32, #tpu.memory_space<vmem>>
    %dma_wait3A_418 = arith.constant 0 : i32
    %dma_wait3A_419 = tpu.memref_slice %arg8[%dma_wait3A_412, %dma_wait3A_418] : memref<4x128xi32, #tpu.memory_space<vmem>> -> memref<1x128xi32, #tpu.memory_space<vmem>>
    %dma_wait3A_420 = tpu.memref_squeeze %dma_wait3A_419 : memref<1x128xi32, #tpu.memory_space<vmem>> -> memref<128xi32, #tpu.memory_space<vmem>>
    %dma_wait3A_421 = arith.constant 0 : i32
    %dma_wait3A_422 = arith.constant 0 : i32
    %dma_wait3A_423 = tpu.memref_slice %arg6[%dma_wait3A_421, %dma_wait3A_422] : memref<100000x128xf32, #tpu.memory_space<hbm>> -> memref<100000x128xf32, #tpu.memory_space<hbm>>
    tpu.wait_indirect_dma semaphore(%arg15 : memref<!tpu.dma_semaphore, #tpu.memory_space<semaphore_mem>>) src(%dma_wait3A_423 : memref<100000x128xf32, #tpu.memory_space<hbm>>) dst(%dma_wait3A_417 : memref<128x128xf32, #tpu.memory_space<vmem>>)
    %scan3A_424 = arith.constant 0 : i32
    %scan3A_425 = arith.constant 0 : i32
    %add3A_426 = arith.constant 384 : i32
    %add3A_427 = arith.addi %add3A_426, %scan3A_425 : i32
    %get3A_428 = arith.constant 0 : i32
    %get3A_429 = arith.index_cast %get3A_428 : i32 to index
    %get3A_430 = arith.index_cast %scan3A_425 : i32 to index
    %get3A_431 = arith.constant 0 : index
    %get3A_432 = tpu.vector_load %arg10[%get3A_429, %get3A_430, %get3A_431] {strides = array<i32>} : memref<3x128x128xf32, #tpu.memory_space<vmem>>, vector<16xf32>,
    %add3A_433 = arith.addf %get3A_432, %get3A_44 : vector<16xf32>
    %get3A_434 = arith.index_cast %add3A_427 : i32 to index
    %get3A_435 = arith.constant 0 : index
    %get3A_436 = tpu.vector_load %arg9[%get3A_434, %get3A_435] {strides = array<i32>} : memref<512x128xf32, #tpu.memory_space<vmem>>, vector<16xf32>,
    %mul3A_437 = arith.mulf %add3A_433, %get3A_436 : vector<16xf32>
    %add3A_438 = arith.addf %get3A_60, %mul3A_437 : vector<16xf32>
    %get3A_439 = arith.constant 0 : i32
    %get3A_440 = arith.index_cast %get3A_439 : i32 to index
    %get3A_441 = arith.index_cast %scan3A_425 : i32 to index
    %get3A_442 = arith.constant 16 : index
    %get3A_443 = tpu.vector_load %arg10[%get3A_440, %get3A_441, %get3A_442] {strides = array<i32>} : memref<3x128x128xf32, #tpu.memory_space<vmem>>, vector<16xf32>,
    %add3A_444 = arith.addf %get3A_443, %get3A_46 : vector<16xf32>
    %get3A_445 = arith.index_cast %add3A_427 : i32 to index
    %get3A_446 = arith.constant 16 : index
    %get3A_447 = tpu.vector_load %arg9[%get3A_445, %get3A_446] {strides = array<i32>} : memref<512x128xf32, #tpu.memory_space<vmem>>, vector<16xf32>,
    %mul3A_448 = arith.mulf %add3A_444, %get3A_447 : vector<16xf32>
    %add3A_449 = arith.addf %add3A_438, %mul3A_448 : vector<16xf32>
    %get3A_450 = arith.constant 0 : i32
    %get3A_451 = arith.index_cast %get3A_450 : i32 to index
    %get3A_452 = arith.index_cast %scan3A_425 : i32 to index
    %get3A_453 = arith.constant 32 : index
    %get3A_454 = tpu.vector_load %arg10[%get3A_451, %get3A_452, %get3A_453] {strides = array<i32>} : memref<3x128x128xf32, #tpu.memory_space<vmem>>, vector<16xf32>,
    %add3A_455 = arith.addf %get3A_454, %get3A_48 : vector<16xf32>
    %get3A_456 = arith.index_cast %add3A_427 : i32 to index
    %get3A_457 = arith.constant 32 : index
    %get3A_458 = tpu.vector_load %arg9[%get3A_456, %get3A_457] {strides = array<i32>} : memref<512x128xf32, #tpu.memory_space<vmem>>, vector<16xf32>,
    %mul3A_459 = arith.mulf %add3A_455, %get3A_458 : vector<16xf32>
    %add3A_460 = arith.addf %add3A_449, %mul3A_459 : vector<16xf32>
    %get3A_461 = arith.constant 0 : i32
    %get3A_462 = arith.index_cast %get3A_461 : i32 to index
    %get3A_463 = arith.index_cast %scan3A_425 : i32 to index
    %get3A_464 = arith.constant 48 : index
    %get3A_465 = tpu.vector_load %arg10[%get3A_462, %get3A_463, %get3A_464] {strides = array<i32>} : memref<3x128x128xf32, #tpu.memory_space<vmem>>, vector<16xf32>,
    %add3A_466 = arith.addf %get3A_465, %get3A_50 : vector<16xf32>
    %get3A_467 = arith.index_cast %add3A_427 : i32 to index
    %get3A_468 = arith.constant 48 : index
    %get3A_469 = tpu.vector_load %arg9[%get3A_467, %get3A_468] {strides = array<i32>} : memref<512x128xf32, #tpu.memory_space<vmem>>, vector<16xf32>,
    %mul3A_470 = arith.mulf %add3A_466, %get3A_469 : vector<16xf32>
    %add3A_471 = arith.addf %add3A_460, %mul3A_470 : vector<16xf32>
    %get3A_472 = arith.constant 0 : i32
    %get3A_473 = arith.index_cast %get3A_472 : i32 to index
    %get3A_474 = arith.index_cast %scan3A_425 : i32 to index
    %get3A_475 = arith.constant 64 : index
    %get3A_476 = tpu.vector_load %arg10[%get3A_473, %get3A_474, %get3A_475] {strides = array<i32>} : memref<3x128x128xf32, #tpu.memory_space<vmem>>, vector<16xf32>,
    %add3A_477 = arith.addf %get3A_476, %get3A_52 : vector<16xf32>
    %get3A_478 = arith.index_cast %add3A_427 : i32 to index
    %get3A_479 = arith.constant 64 : index
    %get3A_480 = tpu.vector_load %arg9[%get3A_478, %get3A_479] {strides = array<i32>} : memref<512x128xf32, #tpu.memory_space<vmem>>, vector<16xf32>,
    %mul3A_481 = arith.mulf %add3A_477, %get3A_480 : vector<16xf32>
    %add3A_482 = arith.addf %add3A_471, %mul3A_481 : vector<16xf32>
    %get3A_483 = arith.constant 0 : i32
    %get3A_484 = arith.index_cast %get3A_483 : i32 to index
    %get3A_485 = arith.index_cast %scan3A_425 : i32 to index
    %get3A_486 = arith.constant 80 : index
    %get3A_487 = tpu.vector_load %arg10[%get3A_484, %get3A_485, %get3A_486] {strides = array<i32>} : memref<3x128x128xf32, #tpu.memory_space<vmem>>, vector<16xf32>,
    %add3A_488 = arith.addf %get3A_487, %get3A_54 : vector<16xf32>
    %get3A_489 = arith.index_cast %add3A_427 : i32 to index
    %get3A_490 = arith.constant 80 : index
    %get3A_491 = tpu.vector_load %arg9[%get3A_489, %get3A_490] {strides = array<i32>} : memref<512x128xf32, #tpu.memory_space<vmem>>, vector<16xf32>,
    %mul3A_492 = arith.mulf %add3A_488, %get3A_491 : vector<16xf32>
    %add3A_493 = arith.addf %add3A_482, %mul3A_492 : vector<16xf32>
    %get3A_494 = arith.constant 0 : i32
    %get3A_495 = arith.index_cast %get3A_494 : i32 to index
    %get3A_496 = arith.index_cast %scan3A_425 : i32 to index
    %get3A_497 = arith.constant 96 : index
    %get3A_498 = tpu.vector_load %arg10[%get3A_495, %get3A_496, %get3A_497] {strides = array<i32>} : memref<3x128x128xf32, #tpu.memory_space<vmem>>, vector<16xf32>,
    %add3A_499 = arith.addf %get3A_498, %get3A_56 : vector<16xf32>
    %get3A_500 = arith.index_cast %add3A_427 : i32 to index
    %get3A_501 = arith.constant 96 : index
    %get3A_502 = tpu.vector_load %arg9[%get3A_500, %get3A_501] {strides = array<i32>} : memref<512x128xf32, #tpu.memory_space<vmem>>, vector<16xf32>,
    %mul3A_503 = arith.mulf %add3A_499, %get3A_502 : vector<16xf32>
    %add3A_504 = arith.addf %add3A_493, %mul3A_503 : vector<16xf32>
    %get3A_505 = arith.constant 0 : i32
    %get3A_506 = arith.index_cast %get3A_505 : i32 to index
    %get3A_507 = arith.index_cast %scan3A_425 : i32 to index
    %get3A_508 = arith.constant 112 : index
    %get3A_509 = tpu.vector_load %arg10[%get3A_506, %get3A_507, %get3A_508] {strides = array<i32>} : memref<3x128x128xf32, #tpu.memory_space<vmem>>, vector<16xf32>,
    %add3A_510 = arith.addf %get3A_509, %get3A_58 : vector<16xf32>
    %get3A_511 = arith.index_cast %add3A_427 : i32 to index
    %get3A_512 = arith.constant 112 : index
    %get3A_513 = tpu.vector_load %arg9[%get3A_511, %get3A_512] {strides = array<i32>} : memref<512x128xf32, #tpu.memory_space<vmem>>, vector<16xf32>,
    %mul3A_514 = arith.mulf %add3A_510, %get3A_513 : vector<16xf32>
    %add3A_515 = arith.addf %add3A_504, %mul3A_514 : vector<16xf32>
    %broadcast_in_dim3A_516 = arith.constant true
    %broadcast_in_dim3A_517 = vector.broadcast %broadcast_in_dim3A_516 : i1 to vector<16xi1>
    %masked_cumsum3A_518 = tpu.scan <sum>, %add3A_515 masked %broadcast_in_dim3A_517 : vector<16xf32>, vector<16xi1> -> vector<16xf32>
    %add3A_519 = arith.constant 384 : i32
    %add3A_520 = arith.addi %add3A_519, %scan3A_425 : i32
    %swap3A_521 = arith.index_cast %add3A_520 : i32 to index
    %swap3A_522 = tpu.vector_load %arg13[%swap3A_521] masked %eq3A_62 {strides = array<i32>} : memref<528xf32, #tpu.memory_space<vmem>>, vector<16xf32>, vector<16xi1>
    tpu.vector_store %arg13[%swap3A_521], %masked_cumsum3A_518 masked %eq3A_62 {strides = array<i32>} : memref<528xf32, #tpu.memory_space<vmem>>, vector<16xf32>, vector<16xi1>
    %scan3A_523 = arith.constant 1 : i32
    "tpu.region"() ({
      %run_scoped3A_524 = tpu.sem_alloc : memref<!tpu.dma_semaphore, #tpu.memory_space<semaphore_mem>>
      %dma_start3A_525 = arith.constant 0 : i32
      %dma_start3A_526 = tpu.memref_slice %arg13[%dma_start3A_525] : memref<528xf32, #tpu.memory_space<vmem>> -> memref<512xf32, #tpu.memory_space<vmem>>
      %dma_start3A_527 = tpu.memref_slice %arg7[%mul3A_2] : memref<16384xf32, #tpu.memory_space<hbm>> -> memref<512xf32, #tpu.memory_space<hbm>>
      %dma_start3A_528 = tpu.memref_slice %arg7[%mul3A_2] : memref<16384xf32, #tpu.memory_space<hbm>> -> memref<512xf32, #tpu.memory_space<hbm>>
      %dma_start3A_529 = arith.constant 0 : i32
      %dma_start3A_530 = tpu.memref_slice %arg13[%dma_start3A_529] : memref<528xf32, #tpu.memory_space<vmem>> -> memref<512xf32, #tpu.memory_space<vmem>>
      tpu.enqueue_dma source(%dma_start3A_530 : memref<512xf32, #tpu.memory_space<vmem>>) target(%dma_start3A_528 : memref<512xf32, #tpu.memory_space<hbm>>) target_semaphore(%run_scoped3A_524 : memref<!tpu.dma_semaphore, #tpu.memory_space<semaphore_mem>>)
      %dma_wait3A_531 = arith.constant 0 : i32
      %dma_wait3A_532 = tpu.memref_slice %arg13[%dma_wait3A_531] : memref<528xf32, #tpu.memory_space<vmem>> -> memref<512xf32, #tpu.memory_space<vmem>>
      %dma_wait3A_533 = tpu.memref_slice %arg7[%mul3A_2] : memref<16384xf32, #tpu.memory_space<hbm>> -> memref<512xf32, #tpu.memory_space<hbm>>
      %dma_wait3A_534 = tpu.memref_slice %arg7[%mul3A_2] : memref<16384xf32, #tpu.memory_space<hbm>> -> memref<512xf32, #tpu.memory_space<hbm>>
      %dma_wait3A_535 = arith.constant 0 : i32
      %dma_wait3A_536 = tpu.memref_slice %arg13[%dma_wait3A_535] : memref<528xf32, #tpu.memory_space<vmem>> -> memref<512xf32, #tpu.memory_space<vmem>>
      tpu.wait_dma2 semaphore(%run_scoped3A_524 : memref<!tpu.dma_semaphore, #tpu.memory_space<semaphore_mem>>) src(%dma_wait3A_536 : memref<512xf32, #tpu.memory_space<vmem>>) dst(%dma_wait3A_534 : memref<512xf32, #tpu.memory_space<hbm>>)
      tpu.yield
    }) : () -> ()
    return
  }
}

</mosaic_0001>

<sc_bundles>
// kernel: kernel.3.cloned.1.call-start
scs
__scs_entry_jumppad:
0x0: {  	(pc) =	sbr.rel $0x88, $3  }
0x1: {  	(tag) =	ssettag $0x0;
	lr =	simm.s32 $0x1  }
0x2: {  	[smem:$0x3F9C] =	sst lr;
	_ =	strace $0xD0000000  }
0x3: {  	_ = 	snop  }
0x4: {  	_ = 	snop  }
0x5: {  	_ = 	snop  }
0x6: {  	_ = 	snop  }
0x7: {  	_ = 	snop  }
__scs_overlays_trampoline_lowered:
0x8: {  	[smem:$0x3FAB] =	sst s0  }
0x9: {  	[smem:$0x3FAC] =	sst s1  }
0xa: {  	[smem:$0x3FAD] =	sst s2  }
0xb: {  	[smem:$0x3FAE] =	sst s3  }
0xc: {  	[smem:$0x3FAF] =	sst s4  }
0xd: {  	[smem:$0x3FB0] =	sst s5  }
0xe: {  	[smem:$0x3FB1] =	sst s6  }
0xf: {  	[smem:$0x3FB2] =	sst s7  }
0x10: {  	[smem:$0x3FB3] =	sst s8  }
0x11: {  	[smem:$0x3FB4] =	sst s9;
	s0 =	simm.s32 @!p0 $0x0  }
0x12: {  	s1 =	sld [smem:$0x3F9A];
	s0 =	simm.s32 @p0 $0x1  }
0x13: {  	[smem:$0x3FB5] =	sst s0;
	s0 =	simm.s32 @!p1 $0x0  }
0x14: {  	s2 =	sld [smem:$0x3F99];
	s0 =	simm.s32 @p1 $0x1  }
0x15: {  	[smem:$0x3FB6] =	sst s0;
	s0 =	simm.s32 @!p2 $0x0  }
0x16: {  	s3 =	sld [smem:$0x3FDB];
	s0 =	simm.s32 @p2 $0x1  }
0x17: {  	s4 =	simm.s32 $0x1BF5;
	[smem:$0x3FB8] =	sst s0  }
0x18: {  	s0 =	sld [smem:$0x3F9B];
	_ =	swait.ge [sflag:s4], $0x0  }
0x19: {  	s7 =	sld [smem:$0x3F9C]  }
0x1a: {  	s8 =	sadd.s32 $0xFFFFE003, lr  }
0x1b: {  	s9 =	sadd.s32 $0xFFFFFEF7, lr;
	s5 =	simm.s32 $0xFFFFFFFF;
	p2 =	slt.u32 s8, $0xFFFFF086  }
0x1c: {  	p1 =	slt.u32 s9, $0xF7A;
	s5 =	simm.s32 @!p2 $0x0  }
0x1d: {  	s5 =	simm.s32 @p1 $0x1;
	p0 =	seq.s32 s7, s2  }
0x1e: {  	s7 =	smul.u32 @!p0 $0xF7A, s2;
	p2 =	seq.s32 @!p0 s5, $0x0  }
0x1f: {  	s9 =	smul.u32 $0xF7A, s1;
	s8 =	simm.s32 @!p0 $0x1BF5;
	p2 =	por !p2, p0  }
0x20: {  	[sflag:s8] =	ssyncset.s32 @!p0 $0xFFFFF086;
	s6 =	sadd.s32 @!p0 s3, s7;
	s7 =	simm.s32 @!p0 $0x108  }
0x21: {  	s3 =	sadd.s32 s3, s9;
	s6 =	sadd.s32 @!p0 $0x88, s6;
	s7 =	simm.s32 @p2 $0x1082  }
0x22: {  	[simem:s7], [sflag:s8] =	dma.local @!p0 [hbm:s6], $0xF7A  }
0x23: {  	s9 =	sor.u32 $0xD0000000, s2;
	s6 =	simm.s32 $0x108;
	_ =	swait.ge @!p0 [sflag:s8], $0x0  }
0x24: {  	s3 =	sadd.s32 $0x88, s3;
	s6 =	simm.s32 @!p1 $0x1082;
	[sflag:s4] =	ssyncset.s32 $0xFFFFF086  }
0x25: {  	[simem:s6], [sflag:s4] =	dma.local [hbm:s3], $0xF7A  }
0x26: {  	[smem:$0x3F9C] =	sst s1;
	(tag) =	ssettag s2;
	_ =	strace s9  }
0x27: {  	s1 =	sld [smem:$0x3FAC]  }
0x28: {  	s2 =	sld [smem:$0x3FAD]  }
0x29: {  	s4 =	sld [smem:$0x3FAF]  }
0x2a: {  	p0 =	seq.s32 s5, $0x0;
	s5 =	sld [smem:$0x3FB0]  }
0x2b: {  	s6 =	sld [smem:$0x3FB1]  }
0x2c: {  	s7 =	sld [smem:$0x3FB2]  }
0x2d: {  	s3 =	simm.s32 $0x108;
	s8 =	sld [smem:$0x3FB3]  }
0x2e: {  	s3 =	simm.s32 @!p0 $0x1082;
	s9 =	sld [smem:$0x3FB4]  }
0x2f: {  	lr =	sadd.s32 s0, s3;
	s0 =	sld [smem:$0x3FAB]  }
0x30: {  	s3 =	sld [smem:$0x3FAE]  }
0x31: {  	[smem:$0x3FB7] =	sst s10  }
0x32: {  	s10 =	sld [smem:$0x3FB5];
	_ =	sdelay $0x3  }
0x33: {  	p0 =	seq.s32 s10, $0x1;
	s10 =	sld [smem:$0x3FB7];
	_ =	sdelay $0x3  }
0x34: {  	[smem:$0x3FB7] =	sst s10  }
0x35: {  	s10 =	sld [smem:$0x3FB6];
	_ =	sdelay $0x3  }
0x36: {  	p1 =	seq.s32 s10, $0x1;
	s10 =	sld [smem:$0x3FB7];
	_ =	sdelay $0x3  }
0x37: {  	[smem:$0x3FB7] =	sst s10  }
0x38: {  	s10 =	sld [smem:$0x3FB8]  }
0x39: {  	_ = 	snop;
	(pc) =	sbr.ind lr, $3  }
0x3a: {  	_ = 	snop  }
0x3b: {  	_ = 	snop  }
0x3c: {  	p2 =	seq.s32 s10, $0x1;
	s10 =	sld [smem:$0x3FB7]  }
0x3d: {  	_ =	shalt  }
0x3e: {  	_ =	shalt  }
0x3f: {  	_ =	shalt  }
0x40: {  	_ =	shalt  }
0x41: {  	_ =	shalt  }
0x42: {  	_ =	shalt  }
0x43: {  	_ =	shalt  }
0x44: {  	_ =	shalt  }
0x45: {  	_ =	shalt  }
0x46: {  	_ =	shalt  }
0x47: {  	_ =	shalt  }
0x48: {  	_ =	shalt  }
0x49: {  	_ =	shalt  }
0x4a: {  	_ =	shalt  }
0x4b: {  	_ =	shalt  }
0x4c: {  	_ =	shalt  }
0x4d: {  	_ =	shalt  }
0x4e: {  	_ =	shalt  }
0x4f: {  	_ =	shalt  }
0x50: {  	_ =	shalt  }
0x51: {  	_ =	shalt  }
0x52: {  	_ =	shalt  }
0x53: {  	_ =	shalt  }
0x54: {  	_ =	shalt  }
0x55: {  	_ =	shalt  }
0x56: {  	_ =	shalt  }
0x57: {  	_ =	shalt  }
0x58: {  	_ =	shalt  }
0x59: {  	_ =	shalt  }
0x5a: {  	_ =	shalt  }
0x5b: {  	_ =	shalt  }
0x5c: {  	_ =	shalt  }
0x5d: {  	_ =	shalt  }
0x5e: {  	_ =	shalt  }
0x5f: {  	_ =	shalt  }
0x60: {  	_ =	shalt  }
0x61: {  	_ =	shalt  }
0x62: {  	_ =	shalt  }
0x63: {  	_ =	shalt  }
0x64: {  	_ =	shalt  }
0x65: {  	_ =	shalt  }
0x66: {  	_ =	shalt  }
0x67: {  	_ =	shalt  }
0x68: {  	_ =	shalt  }
0x69: {  	_ =	shalt  }
0x6a: {  	_ =	shalt  }
0x6b: {  	_ =	shalt  }
0x6c: {  	_ =	shalt  }
0x6d: {  	_ =	shalt  }
0x6e: {  	_ =	shalt  }
0x6f: {  	_ =	shalt  }
0x70: {  	_ =	shalt  }
0x71: {  	_ =	shalt  }
0x72: {  	_ =	shalt  }
0x73: {  	_ =	shalt  }
0x74: {  	_ =	shalt  }
0x75: {  	_ =	shalt  }
0x76: {  	_ =	shalt  }
0x77: {  	_ =	shalt  }
0x78: {  	_ =	shalt  }
0x79: {  	_ =	shalt  }
0x7a: {  	_ =	shalt  }
0x7b: {  	_ =	shalt  }
0x7c: {  	_ =	shalt  }
0x7d: {  	_ =	shalt  }
0x7e: {  	_ =	shalt  }
0x7f: {  	_ =	shalt  }
0x80: {  	_ =	shalt  }
0x81: {  	_ =	shalt  }
0x82: {  	_ =	shalt  }
0x83: {  	_ =	shalt  }
0x84: {  	_ =	shalt  }
0x85: {  	_ =	shalt  }
0x86: {  	_ =	shalt  }
0x87: {  	_ =	shalt  }
.Lfunc_end0:
.L_simem_size_0:
called_computation_lowered:
.L_overlay_start_0:
0x88: {  	s2 =	sld [smem:$0x3FD9]  }
0x89: {  	s3 =	sld [smem:$0x3FFE];
	_ =	sdelay $0x1  }
0x8a: {  	s1 =	srdreg.scid  }
0x8b: {  	s0 =	sand.u32 $0x1, s1  }
0x8c: {  	s18 =	sshll.u32 s0, $0xA;
	s2 =	sadd.s32 s3, s2  }
0x8d: {  	s2 =	sadd.s32 s2, s18  }
0x8e: {  	[smem:$0x3FC3] =	sst s2  }
0x8f: {  	_ = 	snop  }
0x90: {  	s2 =	sld [smem:$0x3FC9]  }
0x91: {  	s19 =	sld [smem:$0x3FC8]  }
0x92: {  	s4 =	sld [smem:$0x3FC7]  }
0x93: {  	s5 =	sld [smem:$0x3FC6]  }
0x94: {  	s6 =	sld [smem:$0x3FC5]  }
0x95: {  	s7 =	sld [smem:$0x3FD0];
	(tm) =	ssettm $0x1  }
0x96: {  	s8 =	sld [smem:$0x3FFB];
	_ =	sdelay $0x3  }
0x97: {  	_ =	strace s8  }
0x98: {  	s8 =	sld [smem:$0x3FFC];
	_ =	sdelay $0x3  }
0x99: {  	_ =	strace s8  }
0x9a: {  	s8 =	sld [smem:$0x3FFD];
	_ =	sdelay $0x3  }
0x9b: {  	_ =	strace s8  }
0x9c: {  	_ =	strace $0x8FFFFFFF  }
0x9d: {  	s20 =	sld [smem:$0x3FDB];
	_ =	sdelay $0x1  }
0x9e: {  	s9 =	simm.s32 $_scs_section_size  }
0x9f: {  	s10 =	simm.s32 $_size__tile_overlayer_lowered;
	s11 =	simm.s32 $_tile_overlayer_lowered  }
0xa0: {  	s23 =	simm.s32 $0x1BFF;
	s22 =	sshll.u32 s11, $0x1;
	s8 =	sadd.s32 s9, s20  }
0xa1: {  	s12 =	simm.s32 $0x0;
	s21 =	sshll.u32 s10, $0x1;
	s10 =	sadd.s32 s22, s8  }
0xa2: {  	[timem:s12], [sflag:s23] =	dma.local [hbm:s10], s21  }
0xa3: {  	_ =	swait.ge [sflag:s23], s21  }
0xa4: {  	s9 =	ssub.s32 $0x0, s21;
	[sflag:s23] =	ssyncset.done $0x0  }
0xa5: {  	[sflag:s23] =	ssyncadd.s32 s9;
	_ =	sdelay $0x1  }
0xa6: {  	s24 =	simm.s32 $0x1B8B  }
0xa7: {  	_ =	swait.ge [sflag:s24], $0x1  }
0xa8: {  	[sflag:s24] =	ssyncset.done $0x0  }
0xa9: {  	s25 =	simm.s32 $0x1B8E;
	[sflag:s24] =	ssyncadd.s32 $0xFFFFFFFF  }
0xaa: {  	s26 =	simm.s32 $execute0_lowered;
	[smem:$0x3FD2] =	sst s25  }
0xab: {  	s9 =	sshll.u32 s26, $0x1;
	_ =	strace $0x80000046;
	[dreg:$0x1] =	wrdreg $0xFFFFFFFF  }
0xac: {  	s28 =	simm.s32 $_size_execute0_lowered;
	s8 =	sadd.s32 s8, s9;
	[dreg:$0x0] =	wrdreg $0x0  }
0xad: {  	s9 =	sshll.u32 s28, $0x1;
	[dreg:$0x2] =	wrdreg s8  }
0xae: {  	[dreg:$0x3] =	wrdreg s9  }
0xaf: {  	[dreg:$0x4] =	wrdreg $0xC0  }
0xb0: {  	_ =	task [dreg:s12], $0x5FFFF  }
0xb1: {  	[dreg:$0x1] =	wrdreg $0xFFFFFFFF  }
0xb2: {  	[dreg:$0x0] =	wrdreg $0x60  }
0xb3: {  	[dreg:$0x2] =	wrdreg s2  }
0xb4: {  	[dreg:$0x3] =	wrdreg s19  }
0xb5: {  	[dreg:$0x4] =	wrdreg s4  }
0xb6: {  	[dreg:$0x5] =	wrdreg s5  }
0xb7: {  	[dreg:$0x6] =	wrdreg s6  }
0xb8: {  	[dreg:$0x7] =	wrdreg s7  }
0xb9: {  	[dreg:$0x8] =	wrdreg $0x9  }
0xba: {  	_ =	task.clear_ibuf [dreg:s12], $0x9FFFF;
	_ =	strace $0x90000046  }
0xbb: {  	s29 =	simm.s32 $0x9;
	_ =	strace $0x80000048  }
0xbc: {  	_ =	swait.ge [sflag:s29], $0x1  }
0xbd: {  	[sflag:s29] =	ssyncadd.s32 $0xFFFFFFFF  }
0xbe: {  	_ =	strace $0x90000048  }
0xbf: {  	_ =	sfence  }
0xc0: {  	s30 =	sld [smem:$0x0];
	_ =	sdelay $0x2  }
0xc1: {  	s31 =	sshll.u32 s1, $0xD;
	s1 =	sshrl.u32 s1, $0x2  }
0xc2: {  	s3 =	sand.u32 $0x4000, s31;
	s1 =	sadd.s32 s1, s30  }
0xc3: {  	s0 =	sor.u32 s3, s0;
	s1 =	sshll.u32 s1, $0x11  }
0xc4: {  	s0 =	sor.u32 s1, s0  }
0xc5: {  	s0 =	sadd.s32 $0x8F2B, s0  }
0xc6: {  	[sflag:s0] =	ssyncadd.remote.s32 $0x1  }
0xc7: {  	_ =	sfence.sel $0xFFFF  }
0xc8: {  	[dreg:$0x0] =	wrdreg $0xFFFFFFFF;
	(pc) =	sbr.abs _section_cstart, $3  }
0xc9: {  	[dreg:$0x1] =	wrdreg $0xFFFFFFFF  }
0xca: {  	_ =	task.clear_ibuf [dreg:s12], $0x2FFFF;
	_ =	strace $0x9FFFFFFF  }
0xcb: {  	(tm) =	ssettm $0x7FFFFFFF  }
tec
execute0_lowered:
.L_overlay_start_1:
0x0: {  	(tag) =	ssettag $0x1  }
0x1: {  	s8 =	rddreg [dreg:$0x0]  }
0x2: {  	s3 =	rddreg [dreg:$0x1]  }
0x3: {  	s4 =	rddreg [dreg:$0x2]  }
0x4: {  	s5 =	rddreg [dreg:$0x3];
	s2 =	srdreg.scid  }
0x5: {  	s6 =	rddreg [dreg:$0x4];
	s1 =	stileid.u32;
	s28 =	sand.u32 $0x1, s2  }
0x6: {  	s24 =	rddreg [dreg:$0x5];
	s7 =	sshll.u32 s1, $0xA;
	s9 =	sshll.u32 s28, $0x9  }
0x7: {  	s0 =	rddreg [dreg:$0x6];
	s2 =	simm.s32 $0x0;
	s9 =	sor.u32 s9, s7  }
0x8: {  	v0 =	vimm.f32 $0.0e+00;
	[smem:$0x7FF] =	sst s2;
	s25 =	sshrl.u32 s9, $0x3  }
0x9: {  	_ =	strace $0x80000047;
	[tilespmem:$0x1C280] =	vst v0;
	s7 =	sadd.s32 s3, s25;
	s3 =	simm.s32 $0x5  }
0xa: {  	[tilespmem:s2], [sflag:$0x5] =	stream.linear.gather [hbm4b:s7+s2], $0x200, $0x38;
	[tilespmem:$0x1C580] =	vst v63  }
0xb: {  	_ =	swait.ge [sflag:s3], $0x200  }
0xc: {  	s9 =	sshll.u32 s9, $0x4;
	[sflag:s3] =	ssyncset.done $0x0  }
0xd: {  	s8 =	sadd.s32 s8, s9;
	s9 =	simm.s32 $0x200;
	[sflag:s3] =	ssyncadd.s32 $0xFFFFFE00  }
0xe: {  	[tilespmem:s9], [sflag:$0x1] =	stream.linear.gather [hbm4b:s8+s2], $0x10000, $0x38;
	[tilespmem:$0x1C580] =	vst v63  }
0xf: {  	s10 =	simm.s32 $0x80;
	s11 =	simm.s32 $0x10200  }
0x10: {  	[tilespmem:s11], [sflag:$0x2] =	stream.indirect.gather [hbm4b:s6+s10], $0x80, s2, s10, $0xb8;
	[tilespmem:$0x1C580] =	vst v63  }
0x11: {  	s12 =	simm.s32 $0x14200  }
0x12: {  	[tilespmem:s12], [sflag:$0x3] =	stream.indirect.gather [hbm4b:s6+s10], $0x80, s10, s10, $0xb8;
	[tilespmem:$0x1C580] =	vst v63  }
0x13: {  	s13 =	simm.s32 $0x100;
	s14 =	simm.s32 $0x18200  }
0x14: {  	[tilespmem:s14], [sflag:$0x4] =	stream.indirect.gather [hbm4b:s6+s10], $0x80, s13, s10, $0xb8;
	[tilespmem:$0x1C580] =	vst v63  }
0x15: {  	s15 =	simm.s32 $0x1C200  }
0x16: {  	[tilespmem:s15], [sflag:$0x5] =	stream.linear.gather [hbm4b:s4+s2], $0x80, $0x38;
	[tilespmem:$0x1C580] =	vst v63  }
0x17: {  	_ =	swait.ge [sflag:s3], $0x80  }
0x18: {  	[sflag:s3] =	ssyncset.done $0x0  }
0x19: {  	s16 =	simm.s32 $0x1C280;
	[sflag:s3] =	ssyncadd.s32 $0xFFFFFF80  }
0x1a: {  	[tilespmem:s16], [sflag:$0x5] =	stream.linear.gather [hbm4b:s5+s2], $0x1, $0x38;
	[tilespmem:$0x1C580] =	vst v63  }
0x1b: {  	_ =	swait.ge [sflag:s3], $0x1  }
0x1c: {  	[sflag:s3] =	ssyncset.done $0x0  }
0x1d: {  	[sflag:s3] =	ssyncadd.s32 $0xFFFFFFFF  }
0x1e: {  	v5 =	vld [tilespmem:$0x1C280]  }
0x1f: {  	v1 =	vld [tilespmem:$0x1C270]  }
0x20: {  	v2 =	vld [tilespmem:$0x1C260]  }
0x21: {  	v3 =	vld [tilespmem:$0x1C250]  }
0x22: {  	v4 =	vld [tilespmem:$0x1C240]  }
0x23: {  	v6 =	vld [tilespmem:$0x1C230]  }
0x24: {  	v7 =	vld [tilespmem:$0x1C220]  }
0x25: {  	s17 =	simm.s32 $0x1;
	v8 =	vld [tilespmem:$0x1C200]  }
0x26: {  	v9 =	vld [tilespmem:$0x1C210];
	_ =	swait.ge [sflag:s17], $0x10000  }
0x27: {  	[sflag:s17] =	ssyncset.done $0x0  }
0x28: {  	s18 =	simm.s32 $0x2;
	[sflag:s17] =	ssyncadd.s32 $0xFFFF0000  }
0x29: {  	_ =	swait.ge [sflag:s18], $0x4000  }
0x2a: {  	[sflag:s18] =	ssyncset.done $0x0  }
0x2b: {  	[sflag:s18] =	ssyncadd.s32 $0xFFFFC000  }
0x2c: {  	v10 =	vld [tilespmem:$0x10200]  }
0x2d: {  	v11 =	vld [tilespmem:$0x10210]  }
0x2e: {  	v12 =	vld [tilespmem:$0x200]  }
0x2f: {  	v13 =	vld [tilespmem:$0x10220]  }
0x30: {  	v14 =	vld [tilespmem:$0x210]  }
0x31: {  	v15 =	vld [tilespmem:$0x10230];
	v10 =	vadd.f32 v10, v8  }
0x32: {  	v16 =	vld [tilespmem:$0x220]  }
0x33: {  	v17 =	vld [tilespmem:$0x230];
	v11 =	vadd.f32 v11, v9;
	v10 =	vmul.f32 v12, v10  }
0x34: {  	v12 =	vld [tilespmem:$0x10240]  }
0x35: {  	v18 =	vld [tilespmem:$0x240];
	v13 =	vadd.f32 v13, v7;
	v11 =	vmul.f32 v14, v11;
	v10 =	vadd.f32 v10, v5  }
0x36: {  	v14 =	vld [tilespmem:$0x10250]  }
0x37: {  	v52 =	vld [tilespmem:$0x250];
	v15 =	vadd.f32 v15, v6;
	v10 =	vadd.f32 v11, v10;
	v11 =	vmul.f32 v16, v13  }
0x38: {  	v13 =	vld [tilespmem:$0x10260]  }
0x39: {  	v53 =	vld [tilespmem:$0x260];
	v12 =	vadd.f32 v12, v4;
	v10 =	vadd.f32 v11, v10;
	v11 =	vmul.f32 v17, v15  }
0x3a: {  	v15 =	vld [tilespmem:$0x10270]  }
0x3b: {  	v14 =	vadd.f32 v14, v3;
	v10 =	vadd.f32 v11, v10;
	v11 =	vmul.f32 v18, v12  }
0x3c: {  	v12 =	vld [tilespmem:$0x270]  }
0x3d: {  	v13 =	vadd.f32 v13, v2;
	v10 =	vadd.f32 v11, v10;
	v11 =	vmul.f32 v52, v14;
	_ =	sdelay $0x1  }
0x3e: {  	v14 =	vadd.f32 v15, v1;
	v10 =	vadd.f32 v11, v10;
	v11 =	vmul.f32 v53, v13;
	_ =	sdelay $0x1  }
0x3f: {  	v10 =	vadd.f32 v11, v10;
	v11 =	vmul.f32 v12, v14;
	_ =	sdelay $0x1  }
0x40: {  	v10 =	vadd.f32 v11, v10;
	_ =	sdelay $0x1  }
0x41: {  	(xrf2) =	vadd.scan.msk.f32 $0xffff, v10;
	_ =	sdelay $0x9  }
0x42: {  	vm0 =	vcmask $0x3F3C;
	s19 =	simm.s32 $0x1C300;
	v10, _, _ =	vpop (xrf2)  }
0x43: {  	s20 =	simm.s32 $0x180;
	s21 =	simm.s32 $0x3;
	[tilespmem:s19+$0x0] =	vst.msk vm0, v10  }
0x44: {  	[tilespmem:s11], [sflag:$0x2] =	stream.indirect.gather [hbm4b:s6+s10], $0x80, s20, s10, $0xb8;
	[tilespmem:$0x1C580] =	vst v63  }
0x45: {  	_ =	swait.ge [sflag:s21], $0x4000  }
0x46: {  	[sflag:s21] =	ssyncset.done $0x0  }
0x47: {  	[sflag:s21] =	ssyncadd.s32 $0xFFFFC000  }
0x48: {  	v10 =	vld [tilespmem:$0x14200]  }
0x49: {  	v11 =	vld [tilespmem:$0x14210]  }
0x4a: {  	v12 =	vld [tilespmem:$0x4200]  }
0x4b: {  	v13 =	vld [tilespmem:$0x14220]  }
0x4c: {  	v14 =	vld [tilespmem:$0x4210]  }
0x4d: {  	v15 =	vld [tilespmem:$0x14230];
	v10 =	vadd.f32 v10, v8  }
0x4e: {  	v54 =	vld [tilespmem:$0x4220]  }
0x4f: {  	v55 =	vld [tilespmem:$0x4230];
	v11 =	vadd.f32 v11, v9;
	v10 =	vmul.f32 v12, v10  }
0x50: {  	v12 =	vld [tilespmem:$0x14240]  }
0x51: {  	v56 =	vld [tilespmem:$0x4240];
	v13 =	vadd.f32 v13, v7;
	v11 =	vmul.f32 v14, v11;
	v10 =	vadd.f32 v10, v5  }
0x52: {  	v14 =	vld [tilespmem:$0x14250]  }
0x53: {  	v57 =	vld [tilespmem:$0x4250];
	v15 =	vadd.f32 v15, v6;
	v10 =	vadd.f32 v11, v10;
	v11 =	vmul.f32 v54, v13  }
0x54: {  	v13 =	vld [tilespmem:$0x14260]  }
0x55: {  	v58 =	vld [tilespmem:$0x4260];
	v12 =	vadd.f32 v12, v4;
	v10 =	vadd.f32 v11, v10;
	v11 =	vmul.f32 v55, v15  }
0x56: {  	v15 =	vld [tilespmem:$0x14270]  }
0x57: {  	v14 =	vadd.f32 v14, v3;
	v10 =	vadd.f32 v11, v10;
	v11 =	vmul.f32 v56, v12  }
0x58: {  	v12 =	vld [tilespmem:$0x4270]  }
0x59: {  	v13 =	vadd.f32 v13, v2;
	v10 =	vadd.f32 v11, v10;
	v11 =	vmul.f32 v57, v14;
	_ =	sdelay $0x1  }
0x5a: {  	v14 =	vadd.f32 v15, v1;
	v10 =	vadd.f32 v11, v10;
	v11 =	vmul.f32 v58, v13;
	_ =	sdelay $0x1  }
0x5b: {  	v10 =	vadd.f32 v11, v10;
	v11 =	vmul.f32 v12, v14;
	_ =	sdelay $0x1  }
0x5c: {  	v10 =	vadd.f32 v11, v10;
	_ =	sdelay $0x1  }
0x5d: {  	(xrf2) =	vadd.scan.msk.f32 $0xffff, v10;
	_ =	sdelay $0x9  }
0x5e: {  	s22 =	simm.s32 $0x1C380;
	v10, _, _ =	vpop (xrf2)  }
0x5f: {  	s23 =	simm.s32 $0x4;
	[tilespmem:s22+$0x0] =	vst.msk vm0, v10  }
0x60: {  	_ =	swait.ge [sflag:s23], $0x4000  }
0x61: {  	[sflag:s23] =	ssyncset.done $0x0  }
0x62: {  	[sflag:s23] =	ssyncadd.s32 $0xFFFFC000  }
0x63: {  	v10 =	vld [tilespmem:$0x18200]  }
0x64: {  	v11 =	vld [tilespmem:$0x18210]  }
0x65: {  	v12 =	vld [tilespmem:$0x8200]  }
0x66: {  	v13 =	vld [tilespmem:$0x18220]  }
0x67: {  	v14 =	vld [tilespmem:$0x8210]  }
0x68: {  	v15 =	vld [tilespmem:$0x18230];
	v10 =	vadd.f32 v10, v8  }
0x69: {  	v59 =	vld [tilespmem:$0x8220]  }
0x6a: {  	v60 =	vld [tilespmem:$0x8230];
	v11 =	vadd.f32 v11, v9;
	v10 =	vmul.f32 v12, v10  }
0x6b: {  	v12 =	vld [tilespmem:$0x18240]  }
0x6c: {  	v61 =	vld [tilespmem:$0x8240];
	v13 =	vadd.f32 v13, v7;
	v11 =	vmul.f32 v14, v11;
	v10 =	vadd.f32 v10, v5  }
0x6d: {  	v14 =	vld [tilespmem:$0x18250]  }
0x6e: {  	v62 =	vld [tilespmem:$0x8250];
	v15 =	vadd.f32 v15, v6;
	v10 =	vadd.f32 v11, v10;
	v11 =	vmul.f32 v59, v13  }
0x6f: {  	v13 =	vld [tilespmem:$0x18260]  }
0x70: {  	v63 =	vld [tilespmem:$0x8260];
	v12 =	vadd.f32 v12, v4;
	v10 =	vadd.f32 v11, v10;
	v11 =	vmul.f32 v60, v15  }
0x71: {  	v15 =	vld [tilespmem:$0x18270]  }
0x72: {  	v14 =	vadd.f32 v14, v3;
	v10 =	vadd.f32 v11, v10;
	v11 =	vmul.f32 v61, v12  }
0x73: {  	v12 =	vld [tilespmem:$0x8270]  }
0x74: {  	v13 =	vadd.f32 v13, v2;
	v10 =	vadd.f32 v11, v10;
	v11 =	vmul.f32 v62, v14;
	_ =	sdelay $0x1  }
0x75: {  	v14 =	vadd.f32 v15, v1;
	v10 =	vadd.f32 v11, v10;
	v11 =	vmul.f32 v63, v13;
	_ =	sdelay $0x1  }
0x76: {  	v10 =	vadd.f32 v11, v10;
	v11 =	vmul.f32 v12, v14;
	_ =	sdelay $0x1  }
0x77: {  	v10 =	vadd.f32 v11, v10;
	_ =	sdelay $0x1  }
0x78: {  	(xrf2) =	vadd.scan.msk.f32 $0xffff, v10;
	_ =	sdelay $0x9  }
0x79: {  	s26 =	simm.s32 $0x1C400;
	v10, _, _ =	vpop (xrf2)  }
0x7a: {  	[tilespmem:s26+$0x0] =	vst.msk vm0, v10  }
0x7b: {  	_ =	swait.ge [sflag:s18], $0x4000  }
0x7c: {  	[sflag:s18] =	ssyncset.done $0x0  }
0x7d: {  	s28 =	ssub.s32 $0x2, s28;
	[sflag:s18] =	ssyncadd.s32 $0xFFFFC000  }
0x7e: {  	s29 =	sshrl.u32 s28, $0x1;
	v12 =	vld [tilespmem:$0x10200]  }
0x7f: {  	s28 =	ssub.s32 s28, s29;
	v13 =	vld [tilespmem:$0x10210]  }
0x80: {  	s28 =	smax.u32 s28, $0x1;
	v14 =	vld [tilespmem:$0xC200]  }
0x81: {  	p0 =	sne.s32 s28, $0x1;
	v15 =	vld [tilespmem:$0xC210]  }
.Ltmp0:
0x82: {  	v10 =	vld [tilespmem:$0x10220];
	(pc) =	sbr.rel @!p0 .LBB2_2-.Ltmp0, $4  }
0x83: {  	v11 =	vld [tilespmem:$0x10230];
	v12 =	vadd.f32 v12, v8  }
0x84: {  	v13 =	vadd.f32 v13, v9;
	v9 =	vld [tilespmem:$0xC220]  }
0x85: {  	v8 =	vld [tilespmem:$0x10240];
	v14 =	vmul.f32 v14, v12  }
0x86: {  	s24 =	sadd.s32 s24, s25;
	s25 =	simm.s32 $0x1C480;
	s28 =	sadd.s32 $0xFFFFFFFF, s28;
	v13 =	vmul.f32 v15, v13;
	v12 =	vld [tilespmem:$0xC230]  }
.LBB2_1:
0x87: {  	p0 =	sne.s32 s28, $0x1;
	s28 =	sadd.s32 $0xFFFFFFFF, s28;
	v5 =	vadd.f32 v14, v5;
	v7 =	vadd.f32 v10, v7;
	v10 =	vld [tilespmem:$0x10250]  }
0x88: {  	v6 =	vadd.f32 v11, v6;
	v11 =	vld [tilespmem:$0xC240]  }
0x89: {  	v5 =	vadd.f32 v13, v5;
	v7 =	vmul.f32 v9, v7;
	v9 =	vld [tilespmem:$0x10260]  }
0x8a: {  	v4 =	vadd.f32 v8, v4;
	v8 =	vld [tilespmem:$0xC250]  }
0x8b: {  	v5 =	vadd.f32 v7, v5;
	v6 =	vmul.f32 v12, v6;
	v7 =	vld [tilespmem:$0x10270]  }
0x8c: {  	v3 =	vadd.f32 v10, v3;
	v10 =	vld [tilespmem:$0xC260]  }
0x8d: {  	v5 =	vadd.f32 v6, v5;
	v4 =	vmul.f32 v11, v4  }
0x8e: {  	v2 =	vadd.f32 v9, v2;
	v6 =	vld [tilespmem:$0xC270]  }
0x8f: {  	v4 =	vadd.f32 v4, v5;
	v3 =	vmul.f32 v8, v3  }
0x90: {  	v1 =	vadd.f32 v7, v1  }
0x91: {  	v3 =	vadd.f32 v3, v4;
	v2 =	vmul.f32 v10, v2;
	_ =	sdelay $0x1  }
0x92: {  	v2 =	vadd.f32 v2, v3;
	v1 =	vmul.f32 v6, v1;
	_ =	sdelay $0x1  }
0x93: {  	v1 =	vadd.f32 v1, v2;
	_ =	sdelay $0x1  }
0x94: {  	(xrf2) =	vadd.scan.msk.f32 $0xffff, v1;
	_ =	sdelay $0x9  }
0x95: {  	v1, _, _ =	vpop (xrf2)  }
0x96: {  	[tilespmem:s25+$0x0] =	vst.msk vm0, v1  }
0x97: {  	[hbm4b:s24+s2] =	stream.linear.scatter [tilespmem:s19], [sflag:$0x5], $0x200, $0x38;
	[tilespmem:$0x1C580] =	vst v63  }
0x98: {  	_ =	swait.ge [sflag:s3], $0x200  }
0x99: {  	[sflag:s3] =	ssyncset.done $0x0  }
0x9a: {  	[sflag:s3] =	ssyncadd.s32 $0xFFFFFE00  }
0x9b: {  	[tilespmem:$0x1C280] =	vst v0  }
0x9c: {  	[tilespmem:s2], [sflag:$0x5] =	stream.linear.gather [hbm4b:s7+s2], $0x200, $0x38;
	[tilespmem:$0x1C580] =	vst v63  }
0x9d: {  	_ =	swait.ge [sflag:s3], $0x200  }
0x9e: {  	[sflag:s3] =	ssyncset.done $0x0  }
0x9f: {  	[sflag:s3] =	ssyncadd.s32 $0xFFFFFE00  }
0xa0: {  	[tilespmem:s9], [sflag:$0x1] =	stream.linear.gather [hbm4b:s8+s2], $0x10000, $0x38;
	[tilespmem:$0x1C580] =	vst v63  }
0xa1: {  	_ = 	snop  }
0xa2: {  	[tilespmem:s11], [sflag:$0x2] =	stream.indirect.gather [hbm4b:s6+s10], $0x80, s2, s10, $0xb8;
	[tilespmem:$0x1C580] =	vst v63  }
0xa3: {  	_ = 	snop  }
0xa4: {  	[tilespmem:s12], [sflag:$0x3] =	stream.indirect.gather [hbm4b:s6+s10], $0x80, s10, s10, $0xb8;
	[tilespmem:$0x1C580] =	vst v63  }
0xa5: {  	_ = 	snop  }
0xa6: {  	[tilespmem:s14], [sflag:$0x4] =	stream.indirect.gather [hbm4b:s6+s10], $0x80, s13, s10, $0xb8;
	[tilespmem:$0x1C580] =	vst v63  }
0xa7: {  	_ = 	snop  }
0xa8: {  	[tilespmem:s15], [sflag:$0x5] =	stream.linear.gather [hbm4b:s4+s2], $0x80, $0x38;
	[tilespmem:$0x1C580] =	vst v63  }
0xa9: {  	_ =	swait.ge [sflag:s3], $0x80  }
0xaa: {  	[sflag:s3] =	ssyncset.done $0x0  }
0xab: {  	[sflag:s3] =	ssyncadd.s32 $0xFFFFFF80  }
0xac: {  	[tilespmem:s16], [sflag:$0x5] =	stream.linear.gather [hbm4b:s5+s2], $0x1, $0x38;
	[tilespmem:$0x1C580] =	vst v63  }
0xad: {  	_ =	swait.ge [sflag:s3], $0x1  }
0xae: {  	[sflag:s3] =	ssyncset.done $0x0  }
0xaf: {  	[sflag:s3] =	ssyncadd.s32 $0xFFFFFFFF  }
0xb0: {  	v5 =	vld [tilespmem:$0x1C280]  }
0xb1: {  	v1 =	vld [tilespmem:$0x1C270]  }
0xb2: {  	v2 =	vld [tilespmem:$0x1C260]  }
0xb3: {  	v3 =	vld [tilespmem:$0x1C250]  }
0xb4: {  	v4 =	vld [tilespmem:$0x1C240]  }
0xb5: {  	v6 =	vld [tilespmem:$0x1C230]  }
0xb6: {  	v7 =	vld [tilespmem:$0x1C220]  }
0xb7: {  	v9 =	vld [tilespmem:$0x1C200]  }
0xb8: {  	v8 =	vld [tilespmem:$0x1C210]  }
0xb9: {  	_ =	swait.ge [sflag:s17], $0x10000  }
0xba: {  	[sflag:s17] =	ssyncset.done $0x0  }
0xbb: {  	[sflag:s17] =	ssyncadd.s32 $0xFFFF0000  }
0xbc: {  	_ =	swait.ge [sflag:s18], $0x4000  }
0xbd: {  	[sflag:s18] =	ssyncset.done $0x0  }
0xbe: {  	[sflag:s18] =	ssyncadd.s32 $0xFFFFC000  }
0xbf: {  	v10 =	vld [tilespmem:$0x10200]  }
0xc0: {  	v11 =	vld [tilespmem:$0x10210]  }
0xc1: {  	v12 =	vld [tilespmem:$0x200]  }
0xc2: {  	v13 =	vld [tilespmem:$0x10220]  }
0xc3: {  	v14 =	vld [tilespmem:$0x210]  }
0xc4: {  	v10 =	vadd.f32 v10, v9;
	v15 =	vld [tilespmem:$0x10230]  }
0xc5: {  	v11 =	vadd.f32 v11, v8;
	v16 =	vld [tilespmem:$0x220]  }
0xc6: {  	v10 =	vmul.f32 v12, v10;
	v12 =	vld [tilespmem:$0x10240]  }
0xc7: {  	v13 =	vadd.f32 v13, v7;
	v17 =	vld [tilespmem:$0x230]  }
0xc8: {  	v10 =	vadd.f32 v10, v5;
	v11 =	vmul.f32 v14, v11;
	v14 =	vld [tilespmem:$0x10250]  }
0xc9: {  	v15 =	vadd.f32 v15, v6;
	v18 =	vld [tilespmem:$0x240]  }
0xca: {  	v10 =	vadd.f32 v11, v10;
	v11 =	vmul.f32 v16, v13;
	v13 =	vld [tilespmem:$0x10260]  }
0xcb: {  	v12 =	vadd.f32 v12, v4;
	v16 =	vld [tilespmem:$0x250]  }
0xcc: {  	v10 =	vadd.f32 v11, v10;
	v11 =	vmul.f32 v17, v15;
	v15 =	vld [tilespmem:$0x10270]  }
0xcd: {  	v14 =	vadd.f32 v14, v3;
	v17 =	vld [tilespmem:$0x260]  }
0xce: {  	v10 =	vadd.f32 v11, v10;
	v11 =	vmul.f32 v18, v12  }
0xcf: {  	v12 =	vadd.f32 v13, v2;
	v13 =	vld [tilespmem:$0x270]  }
0xd0: {  	v10 =	vadd.f32 v11, v10;
	v11 =	vmul.f32 v16, v14  }
0xd1: {  	v14 =	vadd.f32 v15, v1  }
0xd2: {  	v10 =	vadd.f32 v11, v10;
	v11 =	vmul.f32 v17, v12;
	_ =	sdelay $0x1  }
0xd3: {  	v10 =	vadd.f32 v11, v10;
	v11 =	vmul.f32 v13, v14;
	_ =	sdelay $0x1  }
0xd4: {  	v10 =	vadd.f32 v11, v10;
	_ =	sdelay $0x1  }
0xd5: {  	(xrf2) =	vadd.scan.msk.f32 $0xffff, v10;
	_ =	sdelay $0x9  }
0xd6: {  	v10, _, _ =	vpop (xrf2)  }
0xd7: {  	[tilespmem:s19+$0x0] =	vst.msk vm0, v10  }
0xd8: {  	[tilespmem:s11], [sflag:$0x2] =	stream.indirect.gather [hbm4b:s6+s10], $0x80, s20, s10, $0xb8;
	[tilespmem:$0x1C580] =	vst v63  }
0xd9: {  	_ =	swait.ge [sflag:s21], $0x4000  }
0xda: {  	[sflag:s21] =	ssyncset.done $0x0  }
0xdb: {  	[sflag:s21] =	ssyncadd.s32 $0xFFFFC000  }
0xdc: {  	v10 =	vld [tilespmem:$0x14200]  }
0xdd: {  	v11 =	vld [tilespmem:$0x14210]  }
0xde: {  	v12 =	vld [tilespmem:$0x4200]  }
0xdf: {  	v13 =	vld [tilespmem:$0x14220]  }
0xe0: {  	v14 =	vld [tilespmem:$0x4210]  }
0xe1: {  	v10 =	vadd.f32 v10, v9;
	v15 =	vld [tilespmem:$0x14230]  }
0xe2: {  	v11 =	vadd.f32 v11, v8;
	v16 =	vld [tilespmem:$0x4220]  }
0xe3: {  	v10 =	vmul.f32 v12, v10;
	v12 =	vld [tilespmem:$0x14240]  }
0xe4: {  	v13 =	vadd.f32 v13, v7;
	v17 =	vld [tilespmem:$0x4230]  }
0xe5: {  	v10 =	vadd.f32 v10, v5;
	v11 =	vmul.f32 v14, v11;
	v14 =	vld [tilespmem:$0x14250]  }
0xe6: {  	v15 =	vadd.f32 v15, v6;
	v18 =	vld [tilespmem:$0x4240]  }
0xe7: {  	v10 =	vadd.f32 v11, v10;
	v11 =	vmul.f32 v16, v13;
	v13 =	vld [tilespmem:$0x14260]  }
0xe8: {  	v12 =	vadd.f32 v12, v4;
	v16 =	vld [tilespmem:$0x4250]  }
0xe9: {  	v10 =	vadd.f32 v11, v10;
	v11 =	vmul.f32 v17, v15;
	v15 =	vld [tilespmem:$0x14270]  }
0xea: {  	v14 =	vadd.f32 v14, v3;
	v17 =	vld [tilespmem:$0x4260]  }
0xeb: {  	v10 =	vadd.f32 v11, v10;
	v11 =	vmul.f32 v18, v12  }
0xec: {  	v12 =	vadd.f32 v13, v2;
	v13 =	vld [tilespmem:$0x4270]  }
0xed: {  	v10 =	vadd.f32 v11, v10;
	v11 =	vmul.f32 v16, v14  }
0xee: {  	v14 =	vadd.f32 v15, v1  }
0xef: {  	v10 =	vadd.f32 v11, v10;
	v11 =	vmul.f32 v17, v12;
	_ =	sdelay $0x1  }
0xf0: {  	v10 =	vadd.f32 v11, v10;
	v11 =	vmul.f32 v13, v14;
	_ =	sdelay $0x1  }
0xf1: {  	v10 =	vadd.f32 v11, v10;
	_ =	sdelay $0x1  }
0xf2: {  	(xrf2) =	vadd.scan.msk.f32 $0xffff, v10;
	_ =	sdelay $0x9  }
0xf3: {  	v10, _, _ =	vpop (xrf2)  }
0xf4: {  	[tilespmem:s22+$0x0] =	vst.msk vm0, v10  }
0xf5: {  	_ =	swait.ge [sflag:s23], $0x4000  }
0xf6: {  	[sflag:s23] =	ssyncset.done $0x0  }
0xf7: {  	[sflag:s23] =	ssyncadd.s32 $0xFFFFC000  }
0xf8: {  	v10 =	vld [tilespmem:$0x18200]  }
0xf9: {  	v11 =	vld [tilespmem:$0x18210]  }
0xfa: {  	v12 =	vld [tilespmem:$0x8200]  }
0xfb: {  	v13 =	vld [tilespmem:$0x18220]  }
0xfc: {  	v14 =	vld [tilespmem:$0x8210]  }
0xfd: {  	v10 =	vadd.f32 v10, v9;
	v15 =	vld [tilespmem:$0x18230]  }
0xfe: {  	v11 =	vadd.f32 v11, v8;
	v16 =	vld [tilespmem:$0x8220]  }
0xff: {  	v10 =	vmul.f32 v12, v10;
	v12 =	vld [tilespmem:$0x18240]  }
0x100: {  	v13 =	vadd.f32 v13, v7;
	v17 =	vld [tilespmem:$0x8230]  }
0x101: {  	v10 =	vadd.f32 v10, v5;
	v11 =	vmul.f32 v14, v11;
	v14 =	vld [tilespmem:$0x18250]  }
0x102: {  	v15 =	vadd.f32 v15, v6;
	v18 =	vld [tilespmem:$0x8240]  }
0x103: {  	v10 =	vadd.f32 v11, v10;
	v11 =	vmul.f32 v16, v13;
	v13 =	vld [tilespmem:$0x18260]  }
0x104: {  	v12 =	vadd.f32 v12, v4;
	v16 =	vld [tilespmem:$0x8250]  }
0x105: {  	v10 =	vadd.f32 v11, v10;
	v11 =	vmul.f32 v17, v15;
	v15 =	vld [tilespmem:$0x18270]  }
0x106: {  	v14 =	vadd.f32 v14, v3;
	v17 =	vld [tilespmem:$0x8260]  }
0x107: {  	v10 =	vadd.f32 v11, v10;
	v11 =	vmul.f32 v18, v12  }
0x108: {  	v12 =	vadd.f32 v13, v2;
	v13 =	vld [tilespmem:$0x8270]  }
0x109: {  	v10 =	vadd.f32 v11, v10;
	v11 =	vmul.f32 v16, v14  }
0x10a: {  	v14 =	vadd.f32 v15, v1  }
0x10b: {  	v10 =	vadd.f32 v11, v10;
	v11 =	vmul.f32 v17, v12;
	_ =	sdelay $0x1  }
0x10c: {  	v10 =	vadd.f32 v11, v10;
	v11 =	vmul.f32 v13, v14;
	_ =	sdelay $0x1  }
0x10d: {  	v10 =	vadd.f32 v11, v10;
	_ =	sdelay $0x1  }
0x10e: {  	(xrf2) =	vadd.scan.msk.f32 $0xffff, v10;
	_ =	sdelay $0x9  }
0x10f: {  	v10, _, _ =	vpop (xrf2)  }
0x110: {  	[tilespmem:s26+$0x0] =	vst.msk vm0, v10  }
0x111: {  	_ =	swait.ge [sflag:s18], $0x4000  }
0x112: {  	[sflag:s18] =	ssyncset.done $0x0  }
0x113: {  	[sflag:s18] =	ssyncadd.s32 $0xFFFFC000  }
0x114: {  	v11 =	vld [tilespmem:$0x10200]  }
0x115: {  	v12 =	vld [tilespmem:$0x10210]  }
0x116: {  	v13 =	vld [tilespmem:$0xC200]  }
0x117: {  	v15 =	vld [tilespmem:$0xC210]  }
.Ltmp1:
0x118: {  	v10 =	vld [tilespmem:$0x10220];
	(pc) =	sbr.rel @p0 .LBB2_1-.Ltmp1, $4  }
0x119: {  	v14 =	vadd.f32 v11, v9;
	v11 =	vld [tilespmem:$0x10230]  }
0x11a: {  	v12 =	vadd.f32 v12, v8;
	v9 =	vld [tilespmem:$0xC220]  }
0x11b: {  	v14 =	vmul.f32 v13, v14;
	v8 =	vld [tilespmem:$0x10240]  }
0x11c: {  	v13 =	vmul.f32 v15, v12;
	v12 =	vld [tilespmem:$0xC230]  }
.LBB2_2:
0x11d: {  	v0 =	vadd.f32 v14, v5;
	v55 =	vadd.f32 v10, v7;
	v56 =	vld [tilespmem:$0x10250]  }
0x11e: {  	v57 =	vld [tilespmem:$0xC240]  }
0x11f: {  	v58 =	vld [tilespmem:$0x10260];
	v6 =	vadd.f32 v11, v6;
	v0 =	vadd.f32 v13, v0;
	v5 =	vmul.f32 v9, v55  }
0x120: {  	v59 =	vld [tilespmem:$0xC250]  }
0x121: {  	v61 =	vld [tilespmem:$0x10270];
	v4 =	vadd.f32 v8, v4;
	v0 =	vadd.f32 v5, v0;
	v60 =	vmul.f32 v12, v6  }
0x122: {  	v62 =	vld [tilespmem:$0xC260]  }
0x123: {  	v3 =	vadd.f32 v56, v3;
	v4 =	vmul.f32 v57, v4;
	v0 =	vadd.f32 v60, v0  }
0x124: {  	v63 =	vld [tilespmem:$0xC270]  }
0x125: {  	v2 =	vadd.f32 v58, v2;
	v3 =	vmul.f32 v59, v3;
	v0 =	vadd.f32 v4, v0;
	_ =	sdelay $0x1  }
0x126: {  	v1 =	vadd.f32 v61, v1;
	v2 =	vmul.f32 v62, v2;
	v0 =	vadd.f32 v3, v0;
	_ =	sdelay $0x1  }
0x127: {  	v1 =	vmul.f32 v63, v1;
	v0 =	vadd.f32 v2, v0;
	_ =	sdelay $0x1  }
0x128: {  	v0 =	vadd.f32 v1, v0;
	_ =	sdelay $0x1  }
0x129: {  	(xrf2) =	vadd.scan.msk.f32 $0xffff, v0;
	_ =	sdelay $0x9  }
0x12a: {  	v0, _, _ =	vpop (xrf2)  }
0x12b: {  	[tilespmem:s25+$0x0] =	vst.msk vm0, v0  }
0x12c: {  	[hbm4b:s24+s2] =	stream.linear.scatter [tilespmem:s19], [sflag:$0x5], $0x200, $0x38;
	[tilespmem:$0x1C580] =	vst v63  }
0x12d: {  	_ =	swait.ge [sflag:s3], $0x200  }
0x12e: {  	[sflag:s3] =	ssyncset.done $0x0  }
0x12f: {  	[sflag:s3] =	ssyncadd.s32 $0xFFFFFE00  }
0x130: {  	_ =	sfence.sel $0x180000  }
0x131: {  	[bflag:$0x0] =	sbarrier.arrive $0xFFFF  }
0x132: {  	p0 =	sne.s32 s1, $0x0;
	_ =	strace $0x90000047  }
0x133: {  	s0 =	sadd.s32 @!p0 $0x100000, s0;
	[bflag:$0x2] =	sbarrier.arrive $0xFFFF  }
0x134: {  	[sflag:s0] =	ssyncadd.tile.s32 @!p0 $0x1;
	_ =	shalt  }
.Lfunc_end2:
_tile_overlayer_lowered:
.L_overlay_start_2:
0x135: {  	(tag) =	ssettag $0x2  }
0x136: {  	s0 =	rddreg [dreg:$0x0];
	s2 =	stileid.u32  }
0x137: {  	s1 =	rddreg [dreg:$0x1];
	p0 =	sne.s32 s2, $0x0  }
0x138: {  	s3 =	rddreg [dreg:$0x2];
	[bflag:$0x3] =	sbarrier.arrive $0xFFFF;
	s2 =	simm.s32 @!p0 $0x1C05  }
0x139: {  	[timem:s3], [sflag:s2] =	dma.local @!p0 [hbm:s0], s1  }
0x13a: {  	s0 =	simm.s32 @!p0 $0x5  }
0x13b: {  	_ =	swait.ge @!p0 [sflag:s0], s1  }
0x13c: {  	s1 =	ssub.s32 @!p0 $0x0, s1;
	[sflag:s0] =	ssyncset.done @!p0 $0x0  }
0x13d: {  	[sflag:s0] =	ssyncadd.s32 @!p0 s1  }
0x13e: {  	[bflag:$0x3] =	sbarrier.arrive $0xFFFF  }
0x13f: {  	_ =	shalt  }

</sc_bundles>
